<compile_context>
chip_gen: v7x
topology: tpu7x:2x2x1
jax: 0.10.2.dev20260603
libtpu: 0.0.44.dev20260713+nightly
codegen_flags: <defaults>
</compile_context>

<pallas_src>
import jax
import jax.numpy as jnp
from jax import lax
from jax.experimental import pallas as pl
from jax.experimental.pallas import tpu as pltpu
from jax.experimental.pallas import tpu_sc as plsc

N = 10000
D = 128
E = 320000
NC = 2
NS = 16
NW = NC * NS
K = 32
CH = E // K
CPT = CH // NW
XTRA = CH - NW * CPT
RPT = N // NS
NBUF = 6
GAH = 4


def _sc_body(x, ei3, zeros, out, acc,
             rows0, rows1, rows2, rows3, rows4, rows5, src_t, dst_t,
             sg0, sg1, sg2, sg3, sg4, sg5, ss0, ss1, ss2, ss3, ss4, ss5):
    c = lax.axis_index("c")
    s = lax.axis_index("s")
    wid = s * NC + c
    hi = wid < XTRA
    rows = (rows0, rows1, rows2, rows3, rows4, rows5)
    sg = (sg0, sg1, sg2, sg3, sg4, sg5)
    ss = (ss0, ss1, ss2, ss3, ss4, ss5)

    pltpu.sync_copy(zeros, acc.at[pl.ds(s * RPT, RPT)])

    base = wid * CPT + jnp.minimum(wid, XTRA)

    @pl.when(hi)
    def _():
        pltpu.sync_copy(ei3.at[0].at[pl.ds(base, CPT + 1)], src_t)
        pltpu.sync_copy(ei3.at[1].at[pl.ds(base, CPT + 1)], dst_t)

    @pl.when(jnp.logical_not(hi))
    def _():
        pltpu.sync_copy(ei3.at[0].at[pl.ds(base, CPT)], src_t.at[pl.ds(0, CPT)])
        pltpu.sync_copy(ei3.at[1].at[pl.ds(base, CPT)], dst_t.at[pl.ds(0, CPT)])

    plsc.subcore_barrier()

    def issue_gather(slot, j):
        pltpu.async_copy(x.at[src_t.at[j]], rows[slot], sg[slot])

    def wait_gather(slot):
        pltpu.make_async_copy(x.at[src_t.at[0]], rows[slot], sg[slot]).wait()

    def issue_scatter(slot, j):
        pltpu.async_copy(rows[slot], acc.at[dst_t.at[j]], ss[slot], add=True)

    def wait_scatter(slot):
        pltpu.make_async_copy(rows[slot], acc.at[dst_t.at[0]], ss[slot]).wait()

    for b in range(GAH):
        issue_gather(b, b)

    for b in range(NBUF):
        wait_gather(b)
        issue_scatter(b, b)
        nslot = (b + GAH) % NBUF
        if b >= NBUF - GAH:
            wait_scatter(nslot)
        issue_gather(nslot, b + GAH)

    def step(i, carry):
        j = i * NBUF
        for b in range(NBUF):
            wait_gather(b)
            issue_scatter(b, j + b)
            nslot = (b + GAH) % NBUF
            wait_scatter(nslot)
            jn = jnp.minimum(j + b + GAH, CPT - 1)
            issue_gather(nslot, jn)
        return carry

    lax.fori_loop(1, CPT // NBUF, step, 0)
    for b in range(GAH):
        wait_gather((CPT + b) % NBUF)
    for i in range(NBUF - GAH):
        wait_scatter((CPT - (NBUF - GAH) + i) % NBUF)

    @pl.when(hi)
    def _():
        pltpu.async_copy(x.at[src_t.at[CPT]], rows0, sg0).wait()
        pltpu.sync_copy(rows0, acc.at[dst_t.at[CPT]], add=True)

    plsc.subcore_barrier()

    pltpu.sync_copy(acc.at[pl.ds(s * RPT, RPT)], out.at[c].at[pl.ds(s * RPT, RPT)])


@jax.jit
def _sc_accumulate(x, ei3, zeros):
    mesh = plsc.VectorSubcoreMesh(core_axis_name="c", subcore_axis_name="s")
    return pl.kernel(
        _sc_body,
        out_type=jax.ShapeDtypeStruct((NC, N, D), jnp.float32),
        mesh=mesh,
        scratch_types=(
            [pltpu.VMEM_SHARED((N, D), jnp.float32)]
            + [pltpu.VMEM((K, D), jnp.float32) for _ in range(NBUF)]
            + [pltpu.VMEM((CPT + 1, K), jnp.int32) for _ in range(2)]
            + [pltpu.SemaphoreType.DMA for _ in range(2 * NBUF)]
        ),
        compiler_params=pltpu.CompilerParams(use_tc_tiling_on_sc=False),
    )(x, ei3, zeros)


def _tc_body(p_ref, o_ref):
    p = p_ref[...]
    ssum = p[0] + p[1]
    nrm = jnp.sqrt(jnp.sum(ssum * ssum, axis=1, keepdims=True))
    o_ref[...] = jnp.maximum(2.0 * ssum / jnp.maximum(nrm, 1e-12), 0.0)


@jax.jit
def _tc_normalize(parts):
    R = 2000
    return pl.pallas_call(
        _tc_body,
        grid=(N // R,),
        in_specs=[pl.BlockSpec((NC, R, D), lambda i: (0, i, 0))],
        out_specs=pl.BlockSpec((R, D), lambda i: (i, 0)),
        out_shape=jax.ShapeDtypeStruct((N, D), jnp.float32),
    )(parts)


def kernel(x, edge_index, edge_weights, W_f, b_f, W_b, b_b):
    ei3 = edge_index.reshape(2, CH, K)
    zeros = jnp.zeros((RPT, D), jnp.float32)
    parts = _sc_accumulate(x, ei3, zeros)
    return _tc_normalize(parts)

# --- scband reference (transcript-rebuilt; emitter-appended) ---
"""Pipeline reference for scband-graph-sage-e-2336462209765 (READ-ONLY COPY).

The authoritative reference and input builder live on the scoring server;
editing this copy changes nothing except your own understanding.
"""

import jax, jax.numpy as jnp
import numpy as np

N = 10000
E = 320000
D = 128


def _mean_aggr(x, src, dst):
    # PyG MessagePassing(aggr='mean'), flow source_to_target:
    # message x_j = x[src], mean-aggregated at dst; isolated nodes -> 0
    deg = jnp.zeros((N,), x.dtype).at[dst].add(1.0)
    s = jnp.zeros((N, x.shape[1]), x.dtype).at[dst].add(x[src])
    return s / jnp.clip(deg, 1.0)[:, None]


def _l2_normalize(v, eps=1e-12):
    # F.normalize(v, p=2, dim=1)
    n = jnp.sqrt(jnp.sum(v * v, axis=1, keepdims=True))
    return v / jnp.maximum(n, eps)


def setup_inputs(seed: int = 0):
    key = jax.random.key(seed)
    ks = jax.random.split(key, 8)
    x = jax.random.normal(ks[0], (N, D), dtype=jnp.float32)
    edge_index = jax.random.randint(ks[1], (2, E), 0, N, dtype=jnp.int32)
    edge_weights = jax.random.uniform(ks[2], (E, 1), dtype=jnp.float32)
    std = float(np.sqrt(2.0 / (2 * D + D)))  # xavier_normal_ for Linear(2D, D)
    bound = float(1.0 / np.sqrt(2 * D))
    W_f = jax.random.normal(ks[3], (D, 2 * D), dtype=jnp.float32) * std
    b_f = jax.random.uniform(ks[4], (D,), minval=-bound, maxval=bound, dtype=jnp.float32)
    W_b = jax.random.normal(ks[5], (D, 2 * D), dtype=jnp.float32) * std
    b_b = jax.random.uniform(ks[6], (D,), minval=-bound, maxval=bound, dtype=jnp.float32)
    return {"x": x, "edge_index": edge_index, "edge_weights": edge_weights,
            "W_f": W_f, "b_f": b_f, "W_b": W_b, "b_b": b_b}


def reference(x, edge_index, edge_weights, W_f, b_f, W_b, b_b):
    # GraphSageELayer.forward (nr_layers=1), followed by ReLU
    col, row = edge_index[0], edge_index[1]
    # NOTE: original does torch.vstack((col, row)) after `col, row = edge_index`,
    # which reproduces edge_index exactly -- kept faithful here.
    new_edge_index = jnp.stack([col, row])

    # forward direction
    aggr_f = _mean_aggr(x, edge_index[0], edge_index[1])
    h_f = jnp.concatenate([x, aggr_f], axis=1) @ W_f.T + b_f  # computed then overwritten in original update()
    del h_f
    out_f = _l2_normalize(aggr_f)  # original: h = F.normalize(aggr_out)

    # 'backward' direction (identical indices due to the vstack bug)
    aggr_b = _mean_aggr(x, new_edge_index[0], new_edge_index[1])
    h_b = jnp.concatenate([x, aggr_b], axis=1) @ W_b.T + b_b  # computed then overwritten
    del h_b
    out_b = _l2_normalize(aggr_b)

    out = out_f + out_b
    return jax.nn.relu(out)

if __name__ == "__main__":
    import jax
    _d = setup_inputs()
    print(jax.jit(kernel)(*tuple(_d.values())))

</pallas_src>

<mosaic_0001>
#map = affine_map<(d0, d1) -> (0, 0)>
#map1 = affine_map<(d0, d1) -> (0, 0, 0)>
module attributes {stable_mosaic.version = 14 : i64} {
  func.func @_sc_body(%arg0: i32, %arg1: i32, %arg2: memref<10000x128xf32, #tpu.memory_space<hbm>>, %arg3: memref<2x10000x32xi32, #tpu.memory_space<hbm>>, %arg4: memref<625x128xf32, #tpu.memory_space<hbm>>, %arg5: memref<2x10000x128xf32, #tpu.memory_space<hbm>>, %arg6: memref<10000x128xf32, #tpu.memory_space<vmem_shared>>, %arg7: memref<32x128xf32, #tpu.memory_space<vmem>>, %arg8: memref<32x128xf32, #tpu.memory_space<vmem>>, %arg9: memref<32x128xf32, #tpu.memory_space<vmem>>, %arg10: memref<32x128xf32, #tpu.memory_space<vmem>>, %arg11: memref<32x128xf32, #tpu.memory_space<vmem>>, %arg12: memref<32x128xf32, #tpu.memory_space<vmem>>, %arg13: memref<313x32xi32, #tpu.memory_space<vmem>>, %arg14: memref<313x32xi32, #tpu.memory_space<vmem>>, %arg15: memref<!tpu.dma_semaphore, #tpu.memory_space<semaphore_mem>>, %arg16: memref<!tpu.dma_semaphore, #tpu.memory_space<semaphore_mem>>, %arg17: memref<!tpu.dma_semaphore, #tpu.memory_space<semaphore_mem>>, %arg18: memref<!tpu.dma_semaphore, #tpu.memory_space<semaphore_mem>>, %arg19: memref<!tpu.dma_semaphore, #tpu.memory_space<semaphore_mem>>, %arg20: memref<!tpu.dma_semaphore, #tpu.memory_space<semaphore_mem>>, %arg21: memref<!tpu.dma_semaphore, #tpu.memory_space<semaphore_mem>>, %arg22: memref<!tpu.dma_semaphore, #tpu.memory_space<semaphore_mem>>, %arg23: memref<!tpu.dma_semaphore, #tpu.memory_space<semaphore_mem>>, %arg24: memref<!tpu.dma_semaphore, #tpu.memory_space<semaphore_mem>>, %arg25: memref<!tpu.dma_semaphore, #tpu.memory_space<semaphore_mem>>, %arg26: memref<!tpu.dma_semaphore, #tpu.memory_space<semaphore_mem>>) attributes {dimension_semantics = [#tpu.dimension_semantics<core_parallel>, #tpu.dimension_semantics<subcore_parallel>], iteration_bounds = array<i64: 2, 16>, scalar_prefetch = 0 : i64, scratch_operands = 21 : i64, tpu.core_type = #tpu.core_type<sc_vector_subcore>, window_params = [{transform_indices = #map}, {transform_indices = #map1}, {transform_indices = #map}, {transform_indices = #map1}]} {
    %mul3A = arith.constant 2 : i32
    %mul3A_0 = arith.muli %arg1, %mul3A : i32
    %add3A = arith.addi %mul3A_0, %arg0 : i32
    %lt3A = arith.constant 16 : i32
    %lt3A_1 = arith.cmpi slt, %add3A, %lt3A : i32
    %mul3A_2 = arith.constant 625 : i32
    %mul3A_3 = arith.muli %arg1, %mul3A_2 : i32
    "tpu.region"() ({
      %run_scoped3A = tpu.sem_alloc : memref<!tpu.dma_semaphore, #tpu.memory_space<semaphore_mem>>
      %dma_start3A_248 = arith.constant 0 : i32
      %dma_start3A_249 = tpu.memref_slice %arg6[%mul3A_3, %dma_start3A_248] : memref<10000x128xf32, #tpu.memory_space<vmem_shared>> -> memref<625x128xf32, #tpu.memory_space<vmem_shared>>
      tpu.enqueue_dma source(%arg4 : memref<625x128xf32, #tpu.memory_space<hbm>>) target(%dma_start3A_249 : memref<625x128xf32, #tpu.memory_space<vmem_shared>>) target_semaphore(%run_scoped3A : memref<!tpu.dma_semaphore, #tpu.memory_space<semaphore_mem>>)
      %dma_wait3A_250 = arith.constant 0 : i32
      %dma_wait3A_251 = tpu.memref_slice %arg6[%mul3A_3, %dma_wait3A_250] : memref<10000x128xf32, #tpu.memory_space<vmem_shared>> -> memref<625x128xf32, #tpu.memory_space<vmem_shared>>
      tpu.wait_dma2 semaphore(%run_scoped3A : memref<!tpu.dma_semaphore, #tpu.memory_space<semaphore_mem>>) src(%arg4 : memref<625x128xf32, #tpu.memory_space<hbm>>) dst(%dma_wait3A_251 : memref<625x128xf32, #tpu.memory_space<vmem_shared>>)
      tpu.yield
    }) : () -> ()
    %mul3A_4 = arith.constant 312 : i32
    %mul3A_5 = arith.muli %add3A, %mul3A_4 : i32
    %min3A = arith.constant 16 : i32
    %min3A_6 = arith.minsi %add3A, %min3A : i32
    %add3A_7 = arith.addi %mul3A_5, %min3A_6 : i32
    %convert_element_type3A = arith.extui %lt3A_1 : i1 to i32
    %cond3A = arith.constant 0 : i32
    %cond3A_8 = arith.cmpi ne, %convert_element_type3A, %cond3A : i32
    scf.if %cond3A_8 {
      %run_scoped3A = arith.constant 0 : i32
      "tpu.region"() ({
        %run_scoped3A_249 = tpu.sem_alloc : memref<!tpu.dma_semaphore, #tpu.memory_space<semaphore_mem>>
        %dma_start3A_250 = arith.constant 0 : i32
        %dma_start3A_251 = arith.constant 0 : i32
        %dma_start3A_252 = tpu.memref_slice %arg3[%run_scoped3A, %dma_start3A_250, %dma_start3A_251] : memref<2x10000x32xi32, #tpu.memory_space<hbm>> -> memref<1x10000x32xi32, #tpu.memory_space<hbm>>
        %dma_start3A_253 = tpu.memref_squeeze %dma_start3A_252 : memref<1x10000x32xi32, #tpu.memory_space<hbm>> -> memref<10000x32xi32, #tpu.memory_space<hbm>>
        %dma_start3A_254 = arith.constant 0 : i32
        %dma_start3A_255 = tpu.memref_slice %dma_start3A_253[%add3A_7, %dma_start3A_254] : memref<10000x32xi32, #tpu.memory_space<hbm>> -> memref<313x32xi32, #tpu.memory_space<hbm>>
        %dma_start3A_256 = arith.constant 0 : i32
        %dma_start3A_257 = arith.constant 0 : i32
        %dma_start3A_258 = tpu.memref_slice %arg3[%run_scoped3A, %dma_start3A_256, %dma_start3A_257] : memref<2x10000x32xi32, #tpu.memory_space<hbm>> -> memref<1x10000x32xi32, #tpu.memory_space<hbm>>
        %dma_start3A_259 = tpu.memref_squeeze %dma_start3A_258 : memref<1x10000x32xi32, #tpu.memory_space<hbm>> -> memref<10000x32xi32, #tpu.memory_space<hbm>>
        %dma_start3A_260 = arith.constant 0 : i32
        %dma_start3A_261 = tpu.memref_slice %dma_start3A_259[%add3A_7, %dma_start3A_260] : memref<10000x32xi32, #tpu.memory_space<hbm>> -> memref<313x32xi32, #tpu.memory_space<hbm>>
        tpu.enqueue_dma source(%dma_start3A_261 : memref<313x32xi32, #tpu.memory_space<hbm>>) target(%arg13 : memref<313x32xi32, #tpu.memory_space<vmem>>) target_semaphore(%run_scoped3A_249 : memref<!tpu.dma_semaphore, #tpu.memory_space<semaphore_mem>>)
        %dma_wait3A_262 = arith.constant 0 : i32
        %dma_wait3A_263 = arith.constant 0 : i32
        %dma_wait3A_264 = tpu.memref_slice %arg3[%run_scoped3A, %dma_wait3A_262, %dma_wait3A_263] : memref<2x10000x32xi32, #tpu.memory_space<hbm>> -> memref<1x10000x32xi32, #tpu.memory_space<hbm>>
        %dma_wait3A_265 = tpu.memref_squeeze %dma_wait3A_264 : memref<1x10000x32xi32, #tpu.memory_space<hbm>> -> memref<10000x32xi32, #tpu.memory_space<hbm>>
        %dma_wait3A_266 = arith.constant 0 : i32
        %dma_wait3A_267 = tpu.memref_slice %dma_wait3A_265[%add3A_7, %dma_wait3A_266] : memref<10000x32xi32, #tpu.memory_space<hbm>> -> memref<313x32xi32, #tpu.memory_space<hbm>>
        %dma_wait3A_268 = arith.constant 0 : i32
        %dma_wait3A_269 = arith.constant 0 : i32
        %dma_wait3A_270 = tpu.memref_slice %arg3[%run_scoped3A, %dma_wait3A_268, %dma_wait3A_269] : memref<2x10000x32xi32, #tpu.memory_space<hbm>> -> memref<1x10000x32xi32, #tpu.memory_space<hbm>>
        %dma_wait3A_271 = tpu.memref_squeeze %dma_wait3A_270 : memref<1x10000x32xi32, #tpu.memory_space<hbm>> -> memref<10000x32xi32, #tpu.memory_space<hbm>>
        %dma_wait3A_272 = arith.constant 0 : i32
        %dma_wait3A_273 = tpu.memref_slice %dma_wait3A_271[%add3A_7, %dma_wait3A_272] : memref<10000x32xi32, #tpu.memory_space<hbm>> -> memref<313x32xi32, #tpu.memory_space<hbm>>
        tpu.wait_dma2 semaphore(%run_scoped3A_249 : memref<!tpu.dma_semaphore, #tpu.memory_space<semaphore_mem>>) src(%dma_wait3A_273 : memref<313x32xi32, #tpu.memory_space<hbm>>) dst(%arg13 : memref<313x32xi32, #tpu.memory_space<vmem>>)
        tpu.yield
      }) : () -> ()
      %run_scoped3A_248 = arith.constant 1 : i32
      "tpu.region"() ({
        %run_scoped3A_249 = tpu.sem_alloc : memref<!tpu.dma_semaphore, #tpu.memory_space<semaphore_mem>>
        %dma_start3A_250 = arith.constant 0 : i32
        %dma_start3A_251 = arith.constant 0 : i32
        %dma_start3A_252 = tpu.memref_slice %arg3[%run_scoped3A_248, %dma_start3A_250, %dma_start3A_251] : memref<2x10000x32xi32, #tpu.memory_space<hbm>> -> memref<1x10000x32xi32, #tpu.memory_space<hbm>>
        %dma_start3A_253 = tpu.memref_squeeze %dma_start3A_252 : memref<1x10000x32xi32, #tpu.memory_space<hbm>> -> memref<10000x32xi32, #tpu.memory_space<hbm>>
        %dma_start3A_254 = arith.constant 0 : i32
        %dma_start3A_255 = tpu.memref_slice %dma_start3A_253[%add3A_7, %dma_start3A_254] : memref<10000x32xi32, #tpu.memory_space<hbm>> -> memref<313x32xi32, #tpu.memory_space<hbm>>
        %dma_start3A_256 = arith.constant 0 : i32
        %dma_start3A_257 = arith.constant 0 : i32
        %dma_start3A_258 = tpu.memref_slice %arg3[%run_scoped3A_248, %dma_start3A_256, %dma_start3A_257] : memref<2x10000x32xi32, #tpu.memory_space<hbm>> -> memref<1x10000x32xi32, #tpu.memory_space<hbm>>
        %dma_start3A_259 = tpu.memref_squeeze %dma_start3A_258 : memref<1x10000x32xi32, #tpu.memory_space<hbm>> -> memref<10000x32xi32, #tpu.memory_space<hbm>>
        %dma_start3A_260 = arith.constant 0 : i32
        %dma_start3A_261 = tpu.memref_slice %dma_start3A_259[%add3A_7, %dma_start3A_260] : memref<10000x32xi32, #tpu.memory_space<hbm>> -> memref<313x32xi32, #tpu.memory_space<hbm>>
        tpu.enqueue_dma source(%dma_start3A_261 : memref<313x32xi32, #tpu.memory_space<hbm>>) target(%arg14 : memref<313x32xi32, #tpu.memory_space<vmem>>) target_semaphore(%run_scoped3A_249 : memref<!tpu.dma_semaphore, #tpu.memory_space<semaphore_mem>>)
        %dma_wait3A_262 = arith.constant 0 : i32
        %dma_wait3A_263 = arith.constant 0 : i32
        %dma_wait3A_264 = tpu.memref_slice %arg3[%run_scoped3A_248, %dma_wait3A_262, %dma_wait3A_263] : memref<2x10000x32xi32, #tpu.memory_space<hbm>> -> memref<1x10000x32xi32, #tpu.memory_space<hbm>>
        %dma_wait3A_265 = tpu.memref_squeeze %dma_wait3A_264 : memref<1x10000x32xi32, #tpu.memory_space<hbm>> -> memref<10000x32xi32, #tpu.memory_space<hbm>>
        %dma_wait3A_266 = arith.constant 0 : i32
        %dma_wait3A_267 = tpu.memref_slice %dma_wait3A_265[%add3A_7, %dma_wait3A_266] : memref<10000x32xi32, #tpu.memory_space<hbm>> -> memref<313x32xi32, #tpu.memory_space<hbm>>
        %dma_wait3A_268 = arith.constant 0 : i32
        %dma_wait3A_269 = arith.constant 0 : i32
        %dma_wait3A_270 = tpu.memref_slice %arg3[%run_scoped3A_248, %dma_wait3A_268, %dma_wait3A_269] : memref<2x10000x32xi32, #tpu.memory_space<hbm>> -> memref<1x10000x32xi32, #tpu.memory_space<hbm>>
        %dma_wait3A_271 = tpu.memref_squeeze %dma_wait3A_270 : memref<1x10000x32xi32, #tpu.memory_space<hbm>> -> memref<10000x32xi32, #tpu.memory_space<hbm>>
        %dma_wait3A_272 = arith.constant 0 : i32
        %dma_wait3A_273 = tpu.memref_slice %dma_wait3A_271[%add3A_7, %dma_wait3A_272] : memref<10000x32xi32, #tpu.memory_space<hbm>> -> memref<313x32xi32, #tpu.memory_space<hbm>>
        tpu.wait_dma2 semaphore(%run_scoped3A_249 : memref<!tpu.dma_semaphore, #tpu.memory_space<semaphore_mem>>) src(%dma_wait3A_273 : memref<313x32xi32, #tpu.memory_space<hbm>>) dst(%arg14 : memref<313x32xi32, #tpu.memory_space<vmem>>)
        tpu.yield
      }) : () -> ()
    } else {
    }
    %not3A = arith.constant true
    %not3A_9 = arith.xori %lt3A_1, %not3A : i1
    %convert_element_type3A_10 = arith.extui %not3A_9 : i1 to i32
    %cond3A_11 = arith.constant 0 : i32
    %cond3A_12 = arith.cmpi ne, %convert_element_type3A_10, %cond3A_11 : i32
    scf.if %cond3A_12 {
      %run_scoped3A = arith.constant 0 : i32
      "tpu.region"() ({
        %run_scoped3A_249 = tpu.sem_alloc : memref<!tpu.dma_semaphore, #tpu.memory_space<semaphore_mem>>
        %dma_start3A_250 = arith.constant 0 : i32
        %dma_start3A_251 = arith.constant 0 : i32
        %dma_start3A_252 = tpu.memref_slice %arg13[%dma_start3A_250, %dma_start3A_251] : memref<313x32xi32, #tpu.memory_space<vmem>> -> memref<312x32xi32, #tpu.memory_space<vmem>>
        %dma_start3A_253 = arith.constant 0 : i32
        %dma_start3A_254 = arith.constant 0 : i32
        %dma_start3A_255 = tpu.memref_slice %arg3[%run_scoped3A, %dma_start3A_253, %dma_start3A_254] : memref<2x10000x32xi32, #tpu.memory_space<hbm>> -> memref<1x10000x32xi32, #tpu.memory_space<hbm>>
        %dma_start3A_256 = tpu.memref_squeeze %dma_start3A_255 : memref<1x10000x32xi32, #tpu.memory_space<hbm>> -> memref<10000x32xi32, #tpu.memory_space<hbm>>
        %dma_start3A_257 = arith.constant 0 : i32
        %dma_start3A_258 = tpu.memref_slice %dma_start3A_256[%add3A_7, %dma_start3A_257] : memref<10000x32xi32, #tpu.memory_space<hbm>> -> memref<312x32xi32, #tpu.memory_space<hbm>>
        %dma_start3A_259 = arith.constant 0 : i32
        %dma_start3A_260 = arith.constant 0 : i32
        %dma_start3A_261 = tpu.memref_slice %arg13[%dma_start3A_259, %dma_start3A_260] : memref<313x32xi32, #tpu.memory_space<vmem>> -> memref<312x32xi32, #tpu.memory_space<vmem>>
        %dma_start3A_262 = arith.constant 0 : i32
        %dma_start3A_263 = arith.constant 0 : i32
        %dma_start3A_264 = tpu.memref_slice %arg3[%run_scoped3A, %dma_start3A_262, %dma_start3A_263] : memref<2x10000x32xi32, #tpu.memory_space<hbm>> -> memref<1x10000x32xi32, #tpu.memory_space<hbm>>
        %dma_start3A_265 = tpu.memref_squeeze %dma_start3A_264 : memref<1x10000x32xi32, #tpu.memory_space<hbm>> -> memref<10000x32xi32, #tpu.memory_space<hbm>>
        %dma_start3A_266 = arith.constant 0 : i32
        %dma_start3A_267 = tpu.memref_slice %dma_start3A_265[%add3A_7, %dma_start3A_266] : memref<10000x32xi32, #tpu.memory_space<hbm>> -> memref<312x32xi32, #tpu.memory_space<hbm>>
        tpu.enqueue_dma source(%dma_start3A_267 : memref<312x32xi32, #tpu.memory_space<hbm>>) target(%dma_start3A_261 : memref<312x32xi32, #tpu.memory_space<vmem>>) target_semaphore(%run_scoped3A_249 : memref<!tpu.dma_semaphore, #tpu.memory_space<semaphore_mem>>)
        %dma_wait3A_268 = arith.constant 0 : i32
        %dma_wait3A_269 = arith.constant 0 : i32
        %dma_wait3A_270 = tpu.memref_slice %arg13[%dma_wait3A_268, %dma_wait3A_269] : memref<313x32xi32, #tpu.memory_space<vmem>> -> memref<312x32xi32, #tpu.memory_space<vmem>>
        %dma_wait3A_271 = arith.constant 0 : i32
        %dma_wait3A_272 = arith.constant 0 : i32
        %dma_wait3A_273 = tpu.memref_slice %arg3[%run_scoped3A, %dma_wait3A_271, %dma_wait3A_272] : memref<2x10000x32xi32, #tpu.memory_space<hbm>> -> memref<1x10000x32xi32, #tpu.memory_space<hbm>>
        %dma_wait3A_274 = tpu.memref_squeeze %dma_wait3A_273 : memref<1x10000x32xi32, #tpu.memory_space<hbm>> -> memref<10000x32xi32, #tpu.memory_space<hbm>>
        %dma_wait3A_275 = arith.constant 0 : i32
        %dma_wait3A_276 = tpu.memref_slice %dma_wait3A_274[%add3A_7, %dma_wait3A_275] : memref<10000x32xi32, #tpu.memory_space<hbm>> -> memref<312x32xi32, #tpu.memory_space<hbm>>
        %dma_wait3A_277 = arith.constant 0 : i32
        %dma_wait3A_278 = arith.constant 0 : i32
        %dma_wait3A_279 = tpu.memref_slice %arg13[%dma_wait3A_277, %dma_wait3A_278] : memref<313x32xi32, #tpu.memory_space<vmem>> -> memref<312x32xi32, #tpu.memory_space<vmem>>
        %dma_wait3A_280 = arith.constant 0 : i32
        %dma_wait3A_281 = arith.constant 0 : i32
        %dma_wait3A_282 = tpu.memref_slice %arg3[%run_scoped3A, %dma_wait3A_280, %dma_wait3A_281] : memref<2x10000x32xi32, #tpu.memory_space<hbm>> -> memref<1x10000x32xi32, #tpu.memory_space<hbm>>
        %dma_wait3A_283 = tpu.memref_squeeze %dma_wait3A_282 : memref<1x10000x32xi32, #tpu.memory_space<hbm>> -> memref<10000x32xi32, #tpu.memory_space<hbm>>
        %dma_wait3A_284 = arith.constant 0 : i32
        %dma_wait3A_285 = tpu.memref_slice %dma_wait3A_283[%add3A_7, %dma_wait3A_284] : memref<10000x32xi32, #tpu.memory_space<hbm>> -> memref<312x32xi32, #tpu.memory_space<hbm>>
        tpu.wait_dma2 semaphore(%run_scoped3A_249 : memref<!tpu.dma_semaphore, #tpu.memory_space<semaphore_mem>>) src(%dma_wait3A_285 : memref<312x32xi32, #tpu.memory_space<hbm>>) dst(%dma_wait3A_279 : memref<312x32xi32, #tpu.memory_space<vmem>>)
        tpu.yield
      }) : () -> ()
      %run_scoped3A_248 = arith.constant 1 : i32
      "tpu.region"() ({
        %run_scoped3A_249 = tpu.sem_alloc : memref<!tpu.dma_semaphore, #tpu.memory_space<semaphore_mem>>
        %dma_start3A_250 = arith.constant 0 : i32
        %dma_start3A_251 = arith.constant 0 : i32
        %dma_start3A_252 = tpu.memref_slice %arg14[%dma_start3A_250, %dma_start3A_251] : memref<313x32xi32, #tpu.memory_space<vmem>> -> memref<312x32xi32, #tpu.memory_space<vmem>>
        %dma_start3A_253 = arith.constant 0 : i32
        %dma_start3A_254 = arith.constant 0 : i32
        %dma_start3A_255 = tpu.memref_slice %arg3[%run_scoped3A_248, %dma_start3A_253, %dma_start3A_254] : memref<2x10000x32xi32, #tpu.memory_space<hbm>> -> memref<1x10000x32xi32, #tpu.memory_space<hbm>>
        %dma_start3A_256 = tpu.memref_squeeze %dma_start3A_255 : memref<1x10000x32xi32, #tpu.memory_space<hbm>> -> memref<10000x32xi32, #tpu.memory_space<hbm>>
        %dma_start3A_257 = arith.constant 0 : i32
        %dma_start3A_258 = tpu.memref_slice %dma_start3A_256[%add3A_7, %dma_start3A_257] : memref<10000x32xi32, #tpu.memory_space<hbm>> -> memref<312x32xi32, #tpu.memory_space<hbm>>
        %dma_start3A_259 = arith.constant 0 : i32
        %dma_start3A_260 = arith.constant 0 : i32
        %dma_start3A_261 = tpu.memref_slice %arg14[%dma_start3A_259, %dma_start3A_260] : memref<313x32xi32, #tpu.memory_space<vmem>> -> memref<312x32xi32, #tpu.memory_space<vmem>>
        %dma_start3A_262 = arith.constant 0 : i32
        %dma_start3A_263 = arith.constant 0 : i32
        %dma_start3A_264 = tpu.memref_slice %arg3[%run_scoped3A_248, %dma_start3A_262, %dma_start3A_263] : memref<2x10000x32xi32, #tpu.memory_space<hbm>> -> memref<1x10000x32xi32, #tpu.memory_space<hbm>>
        %dma_start3A_265 = tpu.memref_squeeze %dma_start3A_264 : memref<1x10000x32xi32, #tpu.memory_space<hbm>> -> memref<10000x32xi32, #tpu.memory_space<hbm>>
        %dma_start3A_266 = arith.constant 0 : i32
        %dma_start3A_267 = tpu.memref_slice %dma_start3A_265[%add3A_7, %dma_start3A_266] : memref<10000x32xi32, #tpu.memory_space<hbm>> -> memref<312x32xi32, #tpu.memory_space<hbm>>
        tpu.enqueue_dma source(%dma_start3A_267 : memref<312x32xi32, #tpu.memory_space<hbm>>) target(%dma_start3A_261 : memref<312x32xi32, #tpu.memory_space<vmem>>) target_semaphore(%run_scoped3A_249 : memref<!tpu.dma_semaphore, #tpu.memory_space<semaphore_mem>>)
        %dma_wait3A_268 = arith.constant 0 : i32
        %dma_wait3A_269 = arith.constant 0 : i32
        %dma_wait3A_270 = tpu.memref_slice %arg14[%dma_wait3A_268, %dma_wait3A_269] : memref<313x32xi32, #tpu.memory_space<vmem>> -> memref<312x32xi32, #tpu.memory_space<vmem>>
        %dma_wait3A_271 = arith.constant 0 : i32
        %dma_wait3A_272 = arith.constant 0 : i32
        %dma_wait3A_273 = tpu.memref_slice %arg3[%run_scoped3A_248, %dma_wait3A_271, %dma_wait3A_272] : memref<2x10000x32xi32, #tpu.memory_space<hbm>> -> memref<1x10000x32xi32, #tpu.memory_space<hbm>>
        %dma_wait3A_274 = tpu.memref_squeeze %dma_wait3A_273 : memref<1x10000x32xi32, #tpu.memory_space<hbm>> -> memref<10000x32xi32, #tpu.memory_space<hbm>>
        %dma_wait3A_275 = arith.constant 0 : i32
        %dma_wait3A_276 = tpu.memref_slice %dma_wait3A_274[%add3A_7, %dma_wait3A_275] : memref<10000x32xi32, #tpu.memory_space<hbm>> -> memref<312x32xi32, #tpu.memory_space<hbm>>
        %dma_wait3A_277 = arith.constant 0 : i32
        %dma_wait3A_278 = arith.constant 0 : i32
        %dma_wait3A_279 = tpu.memref_slice %arg14[%dma_wait3A_277, %dma_wait3A_278] : memref<313x32xi32, #tpu.memory_space<vmem>> -> memref<312x32xi32, #tpu.memory_space<vmem>>
        %dma_wait3A_280 = arith.constant 0 : i32
        %dma_wait3A_281 = arith.constant 0 : i32
        %dma_wait3A_282 = tpu.memref_slice %arg3[%run_scoped3A_248, %dma_wait3A_280, %dma_wait3A_281] : memref<2x10000x32xi32, #tpu.memory_space<hbm>> -> memref<1x10000x32xi32, #tpu.memory_space<hbm>>
        %dma_wait3A_283 = tpu.memref_squeeze %dma_wait3A_282 : memref<1x10000x32xi32, #tpu.memory_space<hbm>> -> memref<10000x32xi32, #tpu.memory_space<hbm>>
        %dma_wait3A_284 = arith.constant 0 : i32
        %dma_wait3A_285 = tpu.memref_slice %dma_wait3A_283[%add3A_7, %dma_wait3A_284] : memref<10000x32xi32, #tpu.memory_space<hbm>> -> memref<312x32xi32, #tpu.memory_space<hbm>>
        tpu.wait_dma2 semaphore(%run_scoped3A_249 : memref<!tpu.dma_semaphore, #tpu.memory_space<semaphore_mem>>) src(%dma_wait3A_285 : memref<312x32xi32, #tpu.memory_space<hbm>>) dst(%dma_wait3A_279 : memref<312x32xi32, #tpu.memory_space<vmem>>)
        tpu.yield
      }) : () -> ()
    } else {
    }
    %barrier3A = arith.constant 0 : index
    tpu.barrier barrier_id(%barrier3A)
    %dma_start3A = arith.constant 0 : i32
    %dma_start3A_13 = arith.constant 0 : i32
    %dma_start3A_14 = tpu.memref_slice %arg13[%dma_start3A, %dma_start3A_13] : memref<313x32xi32, #tpu.memory_space<vmem>> -> memref<1x32xi32, #tpu.memory_space<vmem>>
    %dma_start3A_15 = tpu.memref_squeeze %dma_start3A_14 : memref<1x32xi32, #tpu.memory_space<vmem>> -> memref<32xi32, #tpu.memory_space<vmem>>
    %dma_start3A_16 = arith.constant 0 : i32
    %dma_start3A_17 = arith.constant 0 : i32
    %dma_start3A_18 = tpu.memref_slice %arg2[%dma_start3A_16, %dma_start3A_17] : memref<10000x128xf32, #tpu.memory_space<hbm>> -> memref<10000x128xf32, #tpu.memory_space<hbm>>
    tpu.enqueue_indirect_dma source(%dma_start3A_18 : memref<10000x128xf32, #tpu.memory_space<hbm>>) target(%arg7 : memref<32x128xf32, #tpu.memory_space<vmem>>) offsets(%dma_start3A_15 : memref<32xi32, #tpu.memory_space<vmem>>) semaphore(%arg15 : memref<!tpu.dma_semaphore, #tpu.memory_space<semaphore_mem>>)
    %dma_start3A_19 = arith.constant 1 : i32
    %dma_start3A_20 = arith.constant 0 : i32
    %dma_start3A_21 = tpu.memref_slice %arg13[%dma_start3A_19, %dma_start3A_20] : memref<313x32xi32, #tpu.memory_space<vmem>> -> memref<1x32xi32, #tpu.memory_space<vmem>>
    %dma_start3A_22 = tpu.memref_squeeze %dma_start3A_21 : memref<1x32xi32, #tpu.memory_space<vmem>> -> memref<32xi32, #tpu.memory_space<vmem>>
    %dma_start3A_23 = arith.constant 0 : i32
    %dma_start3A_24 = arith.constant 0 : i32
    %dma_start3A_25 = tpu.memref_slice %arg2[%dma_start3A_23, %dma_start3A_24] : memref<10000x128xf32, #tpu.memory_space<hbm>> -> memref<10000x128xf32, #tpu.memory_space<hbm>>
    tpu.enqueue_indirect_dma source(%dma_start3A_25 : memref<10000x128xf32, #tpu.memory_space<hbm>>) target(%arg8 : memref<32x128xf32, #tpu.memory_space<vmem>>) offsets(%dma_start3A_22 : memref<32xi32, #tpu.memory_space<vmem>>) semaphore(%arg16 : memref<!tpu.dma_semaphore, #tpu.memory_space<semaphore_mem>>)
    %dma_start3A_26 = arith.constant 2 : i32
    %dma_start3A_27 = arith.constant 0 : i32
    %dma_start3A_28 = tpu.memref_slice %arg13[%dma_start3A_26, %dma_start3A_27] : memref<313x32xi32, #tpu.memory_space<vmem>> -> memref<1x32xi32, #tpu.memory_space<vmem>>
    %dma_start3A_29 = tpu.memref_squeeze %dma_start3A_28 : memref<1x32xi32, #tpu.memory_space<vmem>> -> memref<32xi32, #tpu.memory_space<vmem>>
    %dma_start3A_30 = arith.constant 0 : i32
    %dma_start3A_31 = arith.constant 0 : i32
    %dma_start3A_32 = tpu.memref_slice %arg2[%dma_start3A_30, %dma_start3A_31] : memref<10000x128xf32, #tpu.memory_space<hbm>> -> memref<10000x128xf32, #tpu.memory_space<hbm>>
    tpu.enqueue_indirect_dma source(%dma_start3A_32 : memref<10000x128xf32, #tpu.memory_space<hbm>>) target(%arg9 : memref<32x128xf32, #tpu.memory_space<vmem>>) offsets(%dma_start3A_29 : memref<32xi32, #tpu.memory_space<vmem>>) semaphore(%arg17 : memref<!tpu.dma_semaphore, #tpu.memory_space<semaphore_mem>>)
    %dma_start3A_33 = arith.constant 3 : i32
    %dma_start3A_34 = arith.constant 0 : i32
    %dma_start3A_35 = tpu.memref_slice %arg13[%dma_start3A_33, %dma_start3A_34] : memref<313x32xi32, #tpu.memory_space<vmem>> -> memref<1x32xi32, #tpu.memory_space<vmem>>
    %dma_start3A_36 = tpu.memref_squeeze %dma_start3A_35 : memref<1x32xi32, #tpu.memory_space<vmem>> -> memref<32xi32, #tpu.memory_space<vmem>>
    %dma_start3A_37 = arith.constant 0 : i32
    %dma_start3A_38 = arith.constant 0 : i32
    %dma_start3A_39 = tpu.memref_slice %arg2[%dma_start3A_37, %dma_start3A_38] : memref<10000x128xf32, #tpu.memory_space<hbm>> -> memref<10000x128xf32, #tpu.memory_space<hbm>>
    tpu.enqueue_indirect_dma source(%dma_start3A_39 : memref<10000x128xf32, #tpu.memory_space<hbm>>) target(%arg10 : memref<32x128xf32, #tpu.memory_space<vmem>>) offsets(%dma_start3A_36 : memref<32xi32, #tpu.memory_space<vmem>>) semaphore(%arg18 : memref<!tpu.dma_semaphore, #tpu.memory_space<semaphore_mem>>)
    %dma_wait3A = arith.constant 0 : i32
    %dma_wait3A_40 = arith.constant 0 : i32
    %dma_wait3A_41 = tpu.memref_slice %arg13[%dma_wait3A, %dma_wait3A_40] : memref<313x32xi32, #tpu.memory_space<vmem>> -> memref<1x32xi32, #tpu.memory_space<vmem>>
    %dma_wait3A_42 = tpu.memref_squeeze %dma_wait3A_41 : memref<1x32xi32, #tpu.memory_space<vmem>> -> memref<32xi32, #tpu.memory_space<vmem>>
    %dma_wait3A_43 = arith.constant 0 : i32
    %dma_wait3A_44 = arith.constant 0 : i32
    %dma_wait3A_45 = tpu.memref_slice %arg2[%dma_wait3A_43, %dma_wait3A_44] : memref<10000x128xf32, #tpu.memory_space<hbm>> -> memref<10000x128xf32, #tpu.memory_space<hbm>>
    tpu.wait_indirect_dma semaphore(%arg15 : memref<!tpu.dma_semaphore, #tpu.memory_space<semaphore_mem>>) src(%dma_wait3A_45 : memref<10000x128xf32, #tpu.memory_space<hbm>>) dst(%arg7 : memref<32x128xf32, #tpu.memory_space<vmem>>)
    %dma_start3A_46 = arith.constant 0 : i32
    %dma_start3A_47 = arith.constant 0 : i32
    %dma_start3A_48 = tpu.memref_slice %arg14[%dma_start3A_46, %dma_start3A_47] : memref<313x32xi32, #tpu.memory_space<vmem>> -> memref<1x32xi32, #tpu.memory_space<vmem>>
    %dma_start3A_49 = tpu.memref_squeeze %dma_start3A_48 : memref<1x32xi32, #tpu.memory_space<vmem>> -> memref<32xi32, #tpu.memory_space<vmem>>
    %dma_start3A_50 = arith.constant 0 : i32
    %dma_start3A_51 = arith.constant 0 : i32
    %dma_start3A_52 = tpu.memref_slice %arg6[%dma_start3A_50, %dma_start3A_51] : memref<10000x128xf32, #tpu.memory_space<vmem_shared>> -> memref<10000x128xf32, #tpu.memory_space<vmem_shared>>
    tpu.enqueue_indirect_dma source(%arg7 : memref<32x128xf32, #tpu.memory_space<vmem>>) target(%dma_start3A_52 : memref<10000x128xf32, #tpu.memory_space<vmem_shared>>) offsets(%dma_start3A_49 : memref<32xi32, #tpu.memory_space<vmem>>) semaphore(%arg21 : memref<!tpu.dma_semaphore, #tpu.memory_space<semaphore_mem>>) {add = true}
    %dma_start3A_53 = arith.constant 4 : i32
    %dma_start3A_54 = arith.constant 0 : i32
    %dma_start3A_55 = tpu.memref_slice %arg13[%dma_start3A_53, %dma_start3A_54] : memref<313x32xi32, #tpu.memory_space<vmem>> -> memref<1x32xi32, #tpu.memory_space<vmem>>
    %dma_start3A_56 = tpu.memref_squeeze %dma_start3A_55 : memref<1x32xi32, #tpu.memory_space<vmem>> -> memref<32xi32, #tpu.memory_space<vmem>>
    %dma_start3A_57 = arith.constant 0 : i32
    %dma_start3A_58 = arith.constant 0 : i32
    %dma_start3A_59 = tpu.memref_slice %arg2[%dma_start3A_57, %dma_start3A_58] : memref<10000x128xf32, #tpu.memory_space<hbm>> -> memref<10000x128xf32, #tpu.memory_space<hbm>>
    tpu.enqueue_indirect_dma source(%dma_start3A_59 : memref<10000x128xf32, #tpu.memory_space<hbm>>) target(%arg11 : memref<32x128xf32, #tpu.memory_space<vmem>>) offsets(%dma_start3A_56 : memref<32xi32, #tpu.memory_space<vmem>>) semaphore(%arg19 : memref<!tpu.dma_semaphore, #tpu.memory_space<semaphore_mem>>)
    %dma_wait3A_60 = arith.constant 0 : i32
    %dma_wait3A_61 = arith.constant 0 : i32
    %dma_wait3A_62 = tpu.memref_slice %arg13[%dma_wait3A_60, %dma_wait3A_61] : memref<313x32xi32, #tpu.memory_space<vmem>> -> memref<1x32xi32, #tpu.memory_space<vmem>>
    %dma_wait3A_63 = tpu.memref_squeeze %dma_wait3A_62 : memref<1x32xi32, #tpu.memory_space<vmem>> -> memref<32xi32, #tpu.memory_space<vmem>>
    %dma_wait3A_64 = arith.constant 0 : i32
    %dma_wait3A_65 = arith.constant 0 : i32
    %dma_wait3A_66 = tpu.memref_slice %arg2[%dma_wait3A_64, %dma_wait3A_65] : memref<10000x128xf32, #tpu.memory_space<hbm>> -> memref<10000x128xf32, #tpu.memory_space<hbm>>
    tpu.wait_indirect_dma semaphore(%arg16 : memref<!tpu.dma_semaphore, #tpu.memory_space<semaphore_mem>>) src(%dma_wait3A_66 : memref<10000x128xf32, #tpu.memory_space<hbm>>) dst(%arg8 : memref<32x128xf32, #tpu.memory_space<vmem>>)
    %dma_start3A_67 = arith.constant 1 : i32
    %dma_start3A_68 = arith.constant 0 : i32
    %dma_start3A_69 = tpu.memref_slice %arg14[%dma_start3A_67, %dma_start3A_68] : memref<313x32xi32, #tpu.memory_space<vmem>> -> memref<1x32xi32, #tpu.memory_space<vmem>>
    %dma_start3A_70 = tpu.memref_squeeze %dma_start3A_69 : memref<1x32xi32, #tpu.memory_space<vmem>> -> memref<32xi32, #tpu.memory_space<vmem>>
    %dma_start3A_71 = arith.constant 0 : i32
    %dma_start3A_72 = arith.constant 0 : i32
    %dma_start3A_73 = tpu.memref_slice %arg6[%dma_start3A_71, %dma_start3A_72] : memref<10000x128xf32, #tpu.memory_space<vmem_shared>> -> memref<10000x128xf32, #tpu.memory_space<vmem_shared>>
    tpu.enqueue_indirect_dma source(%arg8 : memref<32x128xf32, #tpu.memory_space<vmem>>) target(%dma_start3A_73 : memref<10000x128xf32, #tpu.memory_space<vmem_shared>>) offsets(%dma_start3A_70 : memref<32xi32, #tpu.memory_space<vmem>>) semaphore(%arg22 : memref<!tpu.dma_semaphore, #tpu.memory_space<semaphore_mem>>) {add = true}
    %dma_start3A_74 = arith.constant 5 : i32
    %dma_start3A_75 = arith.constant 0 : i32
    %dma_start3A_76 = tpu.memref_slice %arg13[%dma_start3A_74, %dma_start3A_75] : memref<313x32xi32, #tpu.memory_space<vmem>> -> memref<1x32xi32, #tpu.memory_space<vmem>>
    %dma_start3A_77 = tpu.memref_squeeze %dma_start3A_76 : memref<1x32xi32, #tpu.memory_space<vmem>> -> memref<32xi32, #tpu.memory_space<vmem>>
    %dma_start3A_78 = arith.constant 0 : i32
    %dma_start3A_79 = arith.constant 0 : i32
    %dma_start3A_80 = tpu.memref_slice %arg2[%dma_start3A_78, %dma_start3A_79] : memref<10000x128xf32, #tpu.memory_space<hbm>> -> memref<10000x128xf32, #tpu.memory_space<hbm>>
    tpu.enqueue_indirect_dma source(%dma_start3A_80 : memref<10000x128xf32, #tpu.memory_space<hbm>>) target(%arg12 : memref<32x128xf32, #tpu.memory_space<vmem>>) offsets(%dma_start3A_77 : memref<32xi32, #tpu.memory_space<vmem>>) semaphore(%arg20 : memref<!tpu.dma_semaphore, #tpu.memory_space<semaphore_mem>>)
    %dma_wait3A_81 = arith.constant 0 : i32
    %dma_wait3A_82 = arith.constant 0 : i32
    %dma_wait3A_83 = tpu.memref_slice %arg13[%dma_wait3A_81, %dma_wait3A_82] : memref<313x32xi32, #tpu.memory_space<vmem>> -> memref<1x32xi32, #tpu.memory_space<vmem>>
    %dma_wait3A_84 = tpu.memref_squeeze %dma_wait3A_83 : memref<1x32xi32, #tpu.memory_space<vmem>> -> memref<32xi32, #tpu.memory_space<vmem>>
    %dma_wait3A_85 = arith.constant 0 : i32
    %dma_wait3A_86 = arith.constant 0 : i32
    %dma_wait3A_87 = tpu.memref_slice %arg2[%dma_wait3A_85, %dma_wait3A_86] : memref<10000x128xf32, #tpu.memory_space<hbm>> -> memref<10000x128xf32, #tpu.memory_space<hbm>>
    tpu.wait_indirect_dma semaphore(%arg17 : memref<!tpu.dma_semaphore, #tpu.memory_space<semaphore_mem>>) src(%dma_wait3A_87 : memref<10000x128xf32, #tpu.memory_space<hbm>>) dst(%arg9 : memref<32x128xf32, #tpu.memory_space<vmem>>)
    %dma_start3A_88 = arith.constant 2 : i32
    %dma_start3A_89 = arith.constant 0 : i32
    %dma_start3A_90 = tpu.memref_slice %arg14[%dma_start3A_88, %dma_start3A_89] : memref<313x32xi32, #tpu.memory_space<vmem>> -> memref<1x32xi32, #tpu.memory_space<vmem>>
    %dma_start3A_91 = tpu.memref_squeeze %dma_start3A_90 : memref<1x32xi32, #tpu.memory_space<vmem>> -> memref<32xi32, #tpu.memory_space<vmem>>
    %dma_start3A_92 = arith.constant 0 : i32
    %dma_start3A_93 = arith.constant 0 : i32
    %dma_start3A_94 = tpu.memref_slice %arg6[%dma_start3A_92, %dma_start3A_93] : memref<10000x128xf32, #tpu.memory_space<vmem_shared>> -> memref<10000x128xf32, #tpu.memory_space<vmem_shared>>
    tpu.enqueue_indirect_dma source(%arg9 : memref<32x128xf32, #tpu.memory_space<vmem>>) target(%dma_start3A_94 : memref<10000x128xf32, #tpu.memory_space<vmem_shared>>) offsets(%dma_start3A_91 : memref<32xi32, #tpu.memory_space<vmem>>) semaphore(%arg23 : memref<!tpu.dma_semaphore, #tpu.memory_space<semaphore_mem>>) {add = true}
    %dma_wait3A_95 = arith.constant 0 : i32
    %dma_wait3A_96 = arith.constant 0 : i32
    %dma_wait3A_97 = tpu.memref_slice %arg14[%dma_wait3A_95, %dma_wait3A_96] : memref<313x32xi32, #tpu.memory_space<vmem>> -> memref<1x32xi32, #tpu.memory_space<vmem>>
    %dma_wait3A_98 = tpu.memref_squeeze %dma_wait3A_97 : memref<1x32xi32, #tpu.memory_space<vmem>> -> memref<32xi32, #tpu.memory_space<vmem>>
    %dma_wait3A_99 = arith.constant 0 : i32
    %dma_wait3A_100 = arith.constant 0 : i32
    %dma_wait3A_101 = tpu.memref_slice %arg6[%dma_wait3A_99, %dma_wait3A_100] : memref<10000x128xf32, #tpu.memory_space<vmem_shared>> -> memref<10000x128xf32, #tpu.memory_space<vmem_shared>>
    tpu.wait_indirect_dma semaphore(%arg21 : memref<!tpu.dma_semaphore, #tpu.memory_space<semaphore_mem>>) src(%arg7 : memref<32x128xf32, #tpu.memory_space<vmem>>) dst(%dma_wait3A_101 : memref<10000x128xf32, #tpu.memory_space<vmem_shared>>)
    %dma_start3A_102 = arith.constant 6 : i32
    %dma_start3A_103 = arith.constant 0 : i32
    %dma_start3A_104 = tpu.memref_slice %arg13[%dma_start3A_102, %dma_start3A_103] : memref<313x32xi32, #tpu.memory_space<vmem>> -> memref<1x32xi32, #tpu.memory_space<vmem>>
    %dma_start3A_105 = tpu.memref_squeeze %dma_start3A_104 : memref<1x32xi32, #tpu.memory_space<vmem>> -> memref<32xi32, #tpu.memory_space<vmem>>
    %dma_start3A_106 = arith.constant 0 : i32
    %dma_start3A_107 = arith.constant 0 : i32
    %dma_start3A_108 = tpu.memref_slice %arg2[%dma_start3A_106, %dma_start3A_107] : memref<10000x128xf32, #tpu.memory_space<hbm>> -> memref<10000x128xf32, #tpu.memory_space<hbm>>
    tpu.enqueue_indirect_dma source(%dma_start3A_108 : memref<10000x128xf32, #tpu.memory_space<hbm>>) target(%arg7 : memref<32x128xf32, #tpu.memory_space<vmem>>) offsets(%dma_start3A_105 : memref<32xi32, #tpu.memory_space<vmem>>) semaphore(%arg15 : memref<!tpu.dma_semaphore, #tpu.memory_space<semaphore_mem>>)
    %dma_wait3A_109 = arith.constant 0 : i32
    %dma_wait3A_110 = arith.constant 0 : i32
    %dma_wait3A_111 = tpu.memref_slice %arg13[%dma_wait3A_109, %dma_wait3A_110] : memref<313x32xi32, #tpu.memory_space<vmem>> -> memref<1x32xi32, #tpu.memory_space<vmem>>
    %dma_wait3A_112 = tpu.memref_squeeze %dma_wait3A_111 : memref<1x32xi32, #tpu.memory_space<vmem>> -> memref<32xi32, #tpu.memory_space<vmem>>
    %dma_wait3A_113 = arith.constant 0 : i32
    %dma_wait3A_114 = arith.constant 0 : i32
    %dma_wait3A_115 = tpu.memref_slice %arg2[%dma_wait3A_113, %dma_wait3A_114] : memref<10000x128xf32, #tpu.memory_space<hbm>> -> memref<10000x128xf32, #tpu.memory_space<hbm>>
    tpu.wait_indirect_dma semaphore(%arg18 : memref<!tpu.dma_semaphore, #tpu.memory_space<semaphore_mem>>) src(%dma_wait3A_115 : memref<10000x128xf32, #tpu.memory_space<hbm>>) dst(%arg10 : memref<32x128xf32, #tpu.memory_space<vmem>>)
    %dma_start3A_116 = arith.constant 3 : i32
    %dma_start3A_117 = arith.constant 0 : i32
    %dma_start3A_118 = tpu.memref_slice %arg14[%dma_start3A_116, %dma_start3A_117] : memref<313x32xi32, #tpu.memory_space<vmem>> -> memref<1x32xi32, #tpu.memory_space<vmem>>
    %dma_start3A_119 = tpu.memref_squeeze %dma_start3A_118 : memref<1x32xi32, #tpu.memory_space<vmem>> -> memref<32xi32, #tpu.memory_space<vmem>>
    %dma_start3A_120 = arith.constant 0 : i32
    %dma_start3A_121 = arith.constant 0 : i32
    %dma_start3A_122 = tpu.memref_slice %arg6[%dma_start3A_120, %dma_start3A_121] : memref<10000x128xf32, #tpu.memory_space<vmem_shared>> -> memref<10000x128xf32, #tpu.memory_space<vmem_shared>>
    tpu.enqueue_indirect_dma source(%arg10 : memref<32x128xf32, #tpu.memory_space<vmem>>) target(%dma_start3A_122 : memref<10000x128xf32, #tpu.memory_space<vmem_shared>>) offsets(%dma_start3A_119 : memref<32xi32, #tpu.memory_space<vmem>>) semaphore(%arg24 : memref<!tpu.dma_semaphore, #tpu.memory_space<semaphore_mem>>) {add = true}
    %dma_wait3A_123 = arith.constant 0 : i32
    %dma_wait3A_124 = arith.constant 0 : i32
    %dma_wait3A_125 = tpu.memref_slice %arg14[%dma_wait3A_123, %dma_wait3A_124] : memref<313x32xi32, #tpu.memory_space<vmem>> -> memref<1x32xi32, #tpu.memory_space<vmem>>
    %dma_wait3A_126 = tpu.memref_squeeze %dma_wait3A_125 : memref<1x32xi32, #tpu.memory_space<vmem>> -> memref<32xi32, #tpu.memory_space<vmem>>
    %dma_wait3A_127 = arith.constant 0 : i32
    %dma_wait3A_128 = arith.constant 0 : i32
    %dma_wait3A_129 = tpu.memref_slice %arg6[%dma_wait3A_127, %dma_wait3A_128] : memref<10000x128xf32, #tpu.memory_space<vmem_shared>> -> memref<10000x128xf32, #tpu.memory_space<vmem_shared>>
    tpu.wait_indirect_dma semaphore(%arg22 : memref<!tpu.dma_semaphore, #tpu.memory_space<semaphore_mem>>) src(%arg8 : memref<32x128xf32, #tpu.memory_space<vmem>>) dst(%dma_wait3A_129 : memref<10000x128xf32, #tpu.memory_space<vmem_shared>>)
    %dma_start3A_130 = arith.constant 7 : i32
    %dma_start3A_131 = arith.constant 0 : i32
    %dma_start3A_132 = tpu.memref_slice %arg13[%dma_start3A_130, %dma_start3A_131] : memref<313x32xi32, #tpu.memory_space<vmem>> -> memref<1x32xi32, #tpu.memory_space<vmem>>
    %dma_start3A_133 = tpu.memref_squeeze %dma_start3A_132 : memref<1x32xi32, #tpu.memory_space<vmem>> -> memref<32xi32, #tpu.memory_space<vmem>>
    %dma_start3A_134 = arith.constant 0 : i32
    %dma_start3A_135 = arith.constant 0 : i32
    %dma_start3A_136 = tpu.memref_slice %arg2[%dma_start3A_134, %dma_start3A_135] : memref<10000x128xf32, #tpu.memory_space<hbm>> -> memref<10000x128xf32, #tpu.memory_space<hbm>>
    tpu.enqueue_indirect_dma source(%dma_start3A_136 : memref<10000x128xf32, #tpu.memory_space<hbm>>) target(%arg8 : memref<32x128xf32, #tpu.memory_space<vmem>>) offsets(%dma_start3A_133 : memref<32xi32, #tpu.memory_space<vmem>>) semaphore(%arg16 : memref<!tpu.dma_semaphore, #tpu.memory_space<semaphore_mem>>)
    %dma_wait3A_137 = arith.constant 0 : i32
    %dma_wait3A_138 = arith.constant 0 : i32
    %dma_wait3A_139 = tpu.memref_slice %arg13[%dma_wait3A_137, %dma_wait3A_138] : memref<313x32xi32, #tpu.memory_space<vmem>> -> memref<1x32xi32, #tpu.memory_space<vmem>>
    %dma_wait3A_140 = tpu.memref_squeeze %dma_wait3A_139 : memref<1x32xi32, #tpu.memory_space<vmem>> -> memref<32xi32, #tpu.memory_space<vmem>>
    %dma_wait3A_141 = arith.constant 0 : i32
    %dma_wait3A_142 = arith.constant 0 : i32
    %dma_wait3A_143 = tpu.memref_slice %arg2[%dma_wait3A_141, %dma_wait3A_142] : memref<10000x128xf32, #tpu.memory_space<hbm>> -> memref<10000x128xf32, #tpu.memory_space<hbm>>
    tpu.wait_indirect_dma semaphore(%arg19 : memref<!tpu.dma_semaphore, #tpu.memory_space<semaphore_mem>>) src(%dma_wait3A_143 : memref<10000x128xf32, #tpu.memory_space<hbm>>) dst(%arg11 : memref<32x128xf32, #tpu.memory_space<vmem>>)
    %dma_start3A_144 = arith.constant 4 : i32
    %dma_start3A_145 = arith.constant 0 : i32
    %dma_start3A_146 = tpu.memref_slice %arg14[%dma_start3A_144, %dma_start3A_145] : memref<313x32xi32, #tpu.memory_space<vmem>> -> memref<1x32xi32, #tpu.memory_space<vmem>>
    %dma_start3A_147 = tpu.memref_squeeze %dma_start3A_146 : memref<1x32xi32, #tpu.memory_space<vmem>> -> memref<32xi32, #tpu.memory_space<vmem>>
    %dma_start3A_148 = arith.constant 0 : i32
    %dma_start3A_149 = arith.constant 0 : i32
    %dma_start3A_150 = tpu.memref_slice %arg6[%dma_start3A_148, %dma_start3A_149] : memref<10000x128xf32, #tpu.memory_space<vmem_shared>> -> memref<10000x128xf32, #tpu.memory_space<vmem_shared>>
    tpu.enqueue_indirect_dma source(%arg11 : memref<32x128xf32, #tpu.memory_space<vmem>>) target(%dma_start3A_150 : memref<10000x128xf32, #tpu.memory_space<vmem_shared>>) offsets(%dma_start3A_147 : memref<32xi32, #tpu.memory_space<vmem>>) semaphore(%arg25 : memref<!tpu.dma_semaphore, #tpu.memory_space<semaphore_mem>>) {add = true}
    %dma_wait3A_151 = arith.constant 0 : i32
    %dma_wait3A_152 = arith.constant 0 : i32
    %dma_wait3A_153 = tpu.memref_slice %arg14[%dma_wait3A_151, %dma_wait3A_152] : memref<313x32xi32, #tpu.memory_space<vmem>> -> memref<1x32xi32, #tpu.memory_space<vmem>>
    %dma_wait3A_154 = tpu.memref_squeeze %dma_wait3A_153 : memref<1x32xi32, #tpu.memory_space<vmem>> -> memref<32xi32, #tpu.memory_space<vmem>>
    %dma_wait3A_155 = arith.constant 0 : i32
    %dma_wait3A_156 = arith.constant 0 : i32
    %dma_wait3A_157 = tpu.memref_slice %arg6[%dma_wait3A_155, %dma_wait3A_156] : memref<10000x128xf32, #tpu.memory_space<vmem_shared>> -> memref<10000x128xf32, #tpu.memory_space<vmem_shared>>
    tpu.wait_indirect_dma semaphore(%arg23 : memref<!tpu.dma_semaphore, #tpu.memory_space<semaphore_mem>>) src(%arg9 : memref<32x128xf32, #tpu.memory_space<vmem>>) dst(%dma_wait3A_157 : memref<10000x128xf32, #tpu.memory_space<vmem_shared>>)
    %dma_start3A_158 = arith.constant 8 : i32
    %dma_start3A_159 = arith.constant 0 : i32
    %dma_start3A_160 = tpu.memref_slice %arg13[%dma_start3A_158, %dma_start3A_159] : memref<313x32xi32, #tpu.memory_space<vmem>> -> memref<1x32xi32, #tpu.memory_space<vmem>>
    %dma_start3A_161 = tpu.memref_squeeze %dma_start3A_160 : memref<1x32xi32, #tpu.memory_space<vmem>> -> memref<32xi32, #tpu.memory_space<vmem>>
    %dma_start3A_162 = arith.constant 0 : i32
    %dma_start3A_163 = arith.constant 0 : i32
    %dma_start3A_164 = tpu.memref_slice %arg2[%dma_start3A_162, %dma_start3A_163] : memref<10000x128xf32, #tpu.memory_space<hbm>> -> memref<10000x128xf32, #tpu.memory_space<hbm>>
    tpu.enqueue_indirect_dma source(%dma_start3A_164 : memref<10000x128xf32, #tpu.memory_space<hbm>>) target(%arg9 : memref<32x128xf32, #tpu.memory_space<vmem>>) offsets(%dma_start3A_161 : memref<32xi32, #tpu.memory_space<vmem>>) semaphore(%arg17 : memref<!tpu.dma_semaphore, #tpu.memory_space<semaphore_mem>>)
    %dma_wait3A_165 = arith.constant 0 : i32
    %dma_wait3A_166 = arith.constant 0 : i32
    %dma_wait3A_167 = tpu.memref_slice %arg13[%dma_wait3A_165, %dma_wait3A_166] : memref<313x32xi32, #tpu.memory_space<vmem>> -> memref<1x32xi32, #tpu.memory_space<vmem>>
    %dma_wait3A_168 = tpu.memref_squeeze %dma_wait3A_167 : memref<1x32xi32, #tpu.memory_space<vmem>> -> memref<32xi32, #tpu.memory_space<vmem>>
    %dma_wait3A_169 = arith.constant 0 : i32
    %dma_wait3A_170 = arith.constant 0 : i32
    %dma_wait3A_171 = tpu.memref_slice %arg2[%dma_wait3A_169, %dma_wait3A_170] : memref<10000x128xf32, #tpu.memory_space<hbm>> -> memref<10000x128xf32, #tpu.memory_space<hbm>>
    tpu.wait_indirect_dma semaphore(%arg20 : memref<!tpu.dma_semaphore, #tpu.memory_space<semaphore_mem>>) src(%dma_wait3A_171 : memref<10000x128xf32, #tpu.memory_space<hbm>>) dst(%arg12 : memref<32x128xf32, #tpu.memory_space<vmem>>)
    %dma_start3A_172 = arith.constant 5 : i32
    %dma_start3A_173 = arith.constant 0 : i32
    %dma_start3A_174 = tpu.memref_slice %arg14[%dma_start3A_172, %dma_start3A_173] : memref<313x32xi32, #tpu.memory_space<vmem>> -> memref<1x32xi32, #tpu.memory_space<vmem>>
    %dma_start3A_175 = tpu.memref_squeeze %dma_start3A_174 : memref<1x32xi32, #tpu.memory_space<vmem>> -> memref<32xi32, #tpu.memory_space<vmem>>
    %dma_start3A_176 = arith.constant 0 : i32
    %dma_start3A_177 = arith.constant 0 : i32
    %dma_start3A_178 = tpu.memref_slice %arg6[%dma_start3A_176, %dma_start3A_177] : memref<10000x128xf32, #tpu.memory_space<vmem_shared>> -> memref<10000x128xf32, #tpu.memory_space<vmem_shared>>
    tpu.enqueue_indirect_dma source(%arg12 : memref<32x128xf32, #tpu.memory_space<vmem>>) target(%dma_start3A_178 : memref<10000x128xf32, #tpu.memory_space<vmem_shared>>) offsets(%dma_start3A_175 : memref<32xi32, #tpu.memory_space<vmem>>) semaphore(%arg26 : memref<!tpu.dma_semaphore, #tpu.memory_space<semaphore_mem>>) {add = true}
    %dma_wait3A_179 = arith.constant 0 : i32
    %dma_wait3A_180 = arith.constant 0 : i32
    %dma_wait3A_181 = tpu.memref_slice %arg14[%dma_wait3A_179, %dma_wait3A_180] : memref<313x32xi32, #tpu.memory_space<vmem>> -> memref<1x32xi32, #tpu.memory_space<vmem>>
    %dma_wait3A_182 = tpu.memref_squeeze %dma_wait3A_181 : memref<1x32xi32, #tpu.memory_space<vmem>> -> memref<32xi32, #tpu.memory_space<vmem>>
    %dma_wait3A_183 = arith.constant 0 : i32
    %dma_wait3A_184 = arith.constant 0 : i32
    %dma_wait3A_185 = tpu.memref_slice %arg6[%dma_wait3A_183, %dma_wait3A_184] : memref<10000x128xf32, #tpu.memory_space<vmem_shared>> -> memref<10000x128xf32, #tpu.memory_space<vmem_shared>>
    tpu.wait_indirect_dma semaphore(%arg24 : memref<!tpu.dma_semaphore, #tpu.memory_space<semaphore_mem>>) src(%arg10 : memref<32x128xf32, #tpu.memory_space<vmem>>) dst(%dma_wait3A_185 : memref<10000x128xf32, #tpu.memory_space<vmem_shared>>)
    %dma_start3A_186 = arith.constant 9 : i32
    %dma_start3A_187 = arith.constant 0 : i32
    %dma_start3A_188 = tpu.memref_slice %arg13[%dma_start3A_186, %dma_start3A_187] : memref<313x32xi32, #tpu.memory_space<vmem>> -> memref<1x32xi32, #tpu.memory_space<vmem>>
    %dma_start3A_189 = tpu.memref_squeeze %dma_start3A_188 : memref<1x32xi32, #tpu.memory_space<vmem>> -> memref<32xi32, #tpu.memory_space<vmem>>
    %dma_start3A_190 = arith.constant 0 : i32
    %dma_start3A_191 = arith.constant 0 : i32
    %dma_start3A_192 = tpu.memref_slice %arg2[%dma_start3A_190, %dma_start3A_191] : memref<10000x128xf32, #tpu.memory_space<hbm>> -> memref<10000x128xf32, #tpu.memory_space<hbm>>
    tpu.enqueue_indirect_dma source(%dma_start3A_192 : memref<10000x128xf32, #tpu.memory_space<hbm>>) target(%arg10 : memref<32x128xf32, #tpu.memory_space<vmem>>) offsets(%dma_start3A_189 : memref<32xi32, #tpu.memory_space<vmem>>) semaphore(%arg18 : memref<!tpu.dma_semaphore, #tpu.memory_space<semaphore_mem>>)
    %scan3A = arith.constant 0 : i32
    %scan3A_193 = arith.constant 1 : i32
    %scan3A_194 = arith.constant 51 : i32
    %scan3A_195 = arith.addi %scan3A_193, %scan3A_194 : i32
    %scan3A_196 = arith.constant 1 : i32
    scf.for %scan3A_248 = %scan3A_193 to %scan3A_195 step %scan3A_196  : i32 {
      %mul3A_249 = arith.constant 6 : i32
      %mul3A_250 = arith.muli %scan3A_248, %mul3A_249 : i32
      %dma_wait3A_251 = arith.constant 0 : i32
      %dma_wait3A_252 = arith.constant 0 : i32
      %dma_wait3A_253 = tpu.memref_slice %arg13[%dma_wait3A_251, %dma_wait3A_252] : memref<313x32xi32, #tpu.memory_space<vmem>> -> memref<1x32xi32, #tpu.memory_space<vmem>>
      %dma_wait3A_254 = tpu.memref_squeeze %dma_wait3A_253 : memref<1x32xi32, #tpu.memory_space<vmem>> -> memref<32xi32, #tpu.memory_space<vmem>>
      %dma_wait3A_255 = arith.constant 0 : i32
      %dma_wait3A_256 = arith.constant 0 : i32
      %dma_wait3A_257 = tpu.memref_slice %arg2[%dma_wait3A_255, %dma_wait3A_256] : memref<10000x128xf32, #tpu.memory_space<hbm>> -> memref<10000x128xf32, #tpu.memory_space<hbm>>
      tpu.wait_indirect_dma semaphore(%arg15 : memref<!tpu.dma_semaphore, #tpu.memory_space<semaphore_mem>>) src(%dma_wait3A_257 : memref<10000x128xf32, #tpu.memory_space<hbm>>) dst(%arg7 : memref<32x128xf32, #tpu.memory_space<vmem>>)
      %add3A_258 = arith.constant 0 : i32
      %add3A_259 = arith.addi %mul3A_250, %add3A_258 : i32
      %dma_start3A_260 = arith.constant 0 : i32
      %dma_start3A_261 = tpu.memref_slice %arg14[%add3A_259, %dma_start3A_260] : memref<313x32xi32, #tpu.memory_space<vmem>> -> memref<1x32xi32, #tpu.memory_space<vmem>>
      %dma_start3A_262 = tpu.memref_squeeze %dma_start3A_261 : memref<1x32xi32, #tpu.memory_space<vmem>> -> memref<32xi32, #tpu.memory_space<vmem>>
      %dma_start3A_263 = arith.constant 0 : i32
      %dma_start3A_264 = arith.constant 0 : i32
      %dma_start3A_265 = tpu.memref_slice %arg6[%dma_start3A_263, %dma_start3A_264] : memref<10000x128xf32, #tpu.memory_space<vmem_shared>> -> memref<10000x128xf32, #tpu.memory_space<vmem_shared>>
      tpu.enqueue_indirect_dma source(%arg7 : memref<32x128xf32, #tpu.memory_space<vmem>>) target(%dma_start3A_265 : memref<10000x128xf32, #tpu.memory_space<vmem_shared>>) offsets(%dma_start3A_262 : memref<32xi32, #tpu.memory_space<vmem>>) semaphore(%arg21 : memref<!tpu.dma_semaphore, #tpu.memory_space<semaphore_mem>>) {add = true}
      %dma_wait3A_266 = arith.constant 0 : i32
      %dma_wait3A_267 = arith.constant 0 : i32
      %dma_wait3A_268 = tpu.memref_slice %arg14[%dma_wait3A_266, %dma_wait3A_267] : memref<313x32xi32, #tpu.memory_space<vmem>> -> memref<1x32xi32, #tpu.memory_space<vmem>>
      %dma_wait3A_269 = tpu.memref_squeeze %dma_wait3A_268 : memref<1x32xi32, #tpu.memory_space<vmem>> -> memref<32xi32, #tpu.memory_space<vmem>>
      %dma_wait3A_270 = arith.constant 0 : i32
      %dma_wait3A_271 = arith.constant 0 : i32
      %dma_wait3A_272 = tpu.memref_slice %arg6[%dma_wait3A_270, %dma_wait3A_271] : memref<10000x128xf32, #tpu.memory_space<vmem_shared>> -> memref<10000x128xf32, #tpu.memory_space<vmem_shared>>
      tpu.wait_indirect_dma semaphore(%arg25 : memref<!tpu.dma_semaphore, #tpu.memory_space<semaphore_mem>>) src(%arg11 : memref<32x128xf32, #tpu.memory_space<vmem>>) dst(%dma_wait3A_272 : memref<10000x128xf32, #tpu.memory_space<vmem_shared>>)
      %add3A_273 = arith.constant 0 : i32
      %add3A_274 = arith.addi %mul3A_250, %add3A_273 : i32
      %add3A_275 = arith.constant 4 : i32
      %add3A_276 = arith.addi %add3A_274, %add3A_275 : i32
      %min3A_277 = arith.constant 311 : i32
      %min3A_278 = arith.minsi %add3A_276, %min3A_277 : i32
      %dma_start3A_279 = arith.constant 0 : i32
      %dma_start3A_280 = tpu.memref_slice %arg13[%min3A_278, %dma_start3A_279] : memref<313x32xi32, #tpu.memory_space<vmem>> -> memref<1x32xi32, #tpu.memory_space<vmem>>
      %dma_start3A_281 = tpu.memref_squeeze %dma_start3A_280 : memref<1x32xi32, #tpu.memory_space<vmem>> -> memref<32xi32, #tpu.memory_space<vmem>>
      %dma_start3A_282 = arith.constant 0 : i32
      %dma_start3A_283 = arith.constant 0 : i32
      %dma_start3A_284 = tpu.memref_slice %arg2[%dma_start3A_282, %dma_start3A_283] : memref<10000x128xf32, #tpu.memory_space<hbm>> -> memref<10000x128xf32, #tpu.memory_space<hbm>>
      tpu.enqueue_indirect_dma source(%dma_start3A_284 : memref<10000x128xf32, #tpu.memory_space<hbm>>) target(%arg11 : memref<32x128xf32, #tpu.memory_space<vmem>>) offsets(%dma_start3A_281 : memref<32xi32, #tpu.memory_space<vmem>>) semaphore(%arg19 : memref<!tpu.dma_semaphore, #tpu.memory_space<semaphore_mem>>)
      %dma_wait3A_285 = arith.constant 0 : i32
      %dma_wait3A_286 = arith.constant 0 : i32
      %dma_wait3A_287 = tpu.memref_slice %arg13[%dma_wait3A_285, %dma_wait3A_286] : memref<313x32xi32, #tpu.memory_space<vmem>> -> memref<1x32xi32, #tpu.memory_space<vmem>>
      %dma_wait3A_288 = tpu.memref_squeeze %dma_wait3A_287 : memref<1x32xi32, #tpu.memory_space<vmem>> -> memref<32xi32, #tpu.memory_space<vmem>>
      %dma_wait3A_289 = arith.constant 0 : i32
      %dma_wait3A_290 = arith.constant 0 : i32
      %dma_wait3A_291 = tpu.memref_slice %arg2[%dma_wait3A_289, %dma_wait3A_290] : memref<10000x128xf32, #tpu.memory_space<hbm>> -> memref<10000x128xf32, #tpu.memory_space<hbm>>
      tpu.wait_indirect_dma semaphore(%arg16 : memref<!tpu.dma_semaphore, #tpu.memory_space<semaphore_mem>>) src(%dma_wait3A_291 : memref<10000x128xf32, #tpu.memory_space<hbm>>) dst(%arg8 : memref<32x128xf32, #tpu.memory_space<vmem>>)
      %add3A_292 = arith.constant 1 : i32
      %add3A_293 = arith.addi %mul3A_250, %add3A_292 : i32
      %dma_start3A_294 = arith.constant 0 : i32
      %dma_start3A_295 = tpu.memref_slice %arg14[%add3A_293, %dma_start3A_294] : memref<313x32xi32, #tpu.memory_space<vmem>> -> memref<1x32xi32, #tpu.memory_space<vmem>>
      %dma_start3A_296 = tpu.memref_squeeze %dma_start3A_295 : memref<1x32xi32, #tpu.memory_space<vmem>> -> memref<32xi32, #tpu.memory_space<vmem>>
      %dma_start3A_297 = arith.constant 0 : i32
      %dma_start3A_298 = arith.constant 0 : i32
      %dma_start3A_299 = tpu.memref_slice %arg6[%dma_start3A_297, %dma_start3A_298] : memref<10000x128xf32, #tpu.memory_space<vmem_shared>> -> memref<10000x128xf32, #tpu.memory_space<vmem_shared>>
      tpu.enqueue_indirect_dma source(%arg8 : memref<32x128xf32, #tpu.memory_space<vmem>>) target(%dma_start3A_299 : memref<10000x128xf32, #tpu.memory_space<vmem_shared>>) offsets(%dma_start3A_296 : memref<32xi32, #tpu.memory_space<vmem>>) semaphore(%arg22 : memref<!tpu.dma_semaphore, #tpu.memory_space<semaphore_mem>>) {add = true}
      %dma_wait3A_300 = arith.constant 0 : i32
      %dma_wait3A_301 = arith.constant 0 : i32
      %dma_wait3A_302 = tpu.memref_slice %arg14[%dma_wait3A_300, %dma_wait3A_301] : memref<313x32xi32, #tpu.memory_space<vmem>> -> memref<1x32xi32, #tpu.memory_space<vmem>>
      %dma_wait3A_303 = tpu.memref_squeeze %dma_wait3A_302 : memref<1x32xi32, #tpu.memory_space<vmem>> -> memref<32xi32, #tpu.memory_space<vmem>>
      %dma_wait3A_304 = arith.constant 0 : i32
      %dma_wait3A_305 = arith.constant 0 : i32
      %dma_wait3A_306 = tpu.memref_slice %arg6[%dma_wait3A_304, %dma_wait3A_305] : memref<10000x128xf32, #tpu.memory_space<vmem_shared>> -> memref<10000x128xf32, #tpu.memory_space<vmem_shared>>
      tpu.wait_indirect_dma semaphore(%arg26 : memref<!tpu.dma_semaphore, #tpu.memory_space<semaphore_mem>>) src(%arg12 : memref<32x128xf32, #tpu.memory_space<vmem>>) dst(%dma_wait3A_306 : memref<10000x128xf32, #tpu.memory_space<vmem_shared>>)
      %add3A_307 = arith.constant 1 : i32
      %add3A_308 = arith.addi %mul3A_250, %add3A_307 : i32
      %add3A_309 = arith.constant 4 : i32
      %add3A_310 = arith.addi %add3A_308, %add3A_309 : i32
      %min3A_311 = arith.constant 311 : i32
      %min3A_312 = arith.minsi %add3A_310, %min3A_311 : i32
      %dma_start3A_313 = arith.constant 0 : i32
      %dma_start3A_314 = tpu.memref_slice %arg13[%min3A_312, %dma_start3A_313] : memref<313x32xi32, #tpu.memory_space<vmem>> -> memref<1x32xi32, #tpu.memory_space<vmem>>
      %dma_start3A_315 = tpu.memref_squeeze %dma_start3A_314 : memref<1x32xi32, #tpu.memory_space<vmem>> -> memref<32xi32, #tpu.memory_space<vmem>>
      %dma_start3A_316 = arith.constant 0 : i32
      %dma_start3A_317 = arith.constant 0 : i32
      %dma_start3A_318 = tpu.memref_slice %arg2[%dma_start3A_316, %dma_start3A_317] : memref<10000x128xf32, #tpu.memory_space<hbm>> -> memref<10000x128xf32, #tpu.memory_space<hbm>>
      tpu.enqueue_indirect_dma source(%dma_start3A_318 : memref<10000x128xf32, #tpu.memory_space<hbm>>) target(%arg12 : memref<32x128xf32, #tpu.memory_space<vmem>>) offsets(%dma_start3A_315 : memref<32xi32, #tpu.memory_space<vmem>>) semaphore(%arg20 : memref<!tpu.dma_semaphore, #tpu.memory_space<semaphore_mem>>)
      %dma_wait3A_319 = arith.constant 0 : i32
      %dma_wait3A_320 = arith.constant 0 : i32
      %dma_wait3A_321 = tpu.memref_slice %arg13[%dma_wait3A_319, %dma_wait3A_320] : memref<313x32xi32, #tpu.memory_space<vmem>> -> memref<1x32xi32, #tpu.memory_space<vmem>>
      %dma_wait3A_322 = tpu.memref_squeeze %dma_wait3A_321 : memref<1x32xi32, #tpu.memory_space<vmem>> -> memref<32xi32, #tpu.memory_space<vmem>>
      %dma_wait3A_323 = arith.constant 0 : i32
      %dma_wait3A_324 = arith.constant 0 : i32
      %dma_wait3A_325 = tpu.memref_slice %arg2[%dma_wait3A_323, %dma_wait3A_324] : memref<10000x128xf32, #tpu.memory_space<hbm>> -> memref<10000x128xf32, #tpu.memory_space<hbm>>
      tpu.wait_indirect_dma semaphore(%arg17 : memref<!tpu.dma_semaphore, #tpu.memory_space<semaphore_mem>>) src(%dma_wait3A_325 : memref<10000x128xf32, #tpu.memory_space<hbm>>) dst(%arg9 : memref<32x128xf32, #tpu.memory_space<vmem>>)
      %add3A_326 = arith.constant 2 : i32
      %add3A_327 = arith.addi %mul3A_250, %add3A_326 : i32
      %dma_start3A_328 = arith.constant 0 : i32
      %dma_start3A_329 = tpu.memref_slice %arg14[%add3A_327, %dma_start3A_328] : memref<313x32xi32, #tpu.memory_space<vmem>> -> memref<1x32xi32, #tpu.memory_space<vmem>>
      %dma_start3A_330 = tpu.memref_squeeze %dma_start3A_329 : memref<1x32xi32, #tpu.memory_space<vmem>> -> memref<32xi32, #tpu.memory_space<vmem>>
      %dma_start3A_331 = arith.constant 0 : i32
      %dma_start3A_332 = arith.constant 0 : i32
      %dma_start3A_333 = tpu.memref_slice %arg6[%dma_start3A_331, %dma_start3A_332] : memref<10000x128xf32, #tpu.memory_space<vmem_shared>> -> memref<10000x128xf32, #tpu.memory_space<vmem_shared>>
      tpu.enqueue_indirect_dma source(%arg9 : memref<32x128xf32, #tpu.memory_space<vmem>>) target(%dma_start3A_333 : memref<10000x128xf32, #tpu.memory_space<vmem_shared>>) offsets(%dma_start3A_330 : memref<32xi32, #tpu.memory_space<vmem>>) semaphore(%arg23 : memref<!tpu.dma_semaphore, #tpu.memory_space<semaphore_mem>>) {add = true}
      %dma_wait3A_334 = arith.constant 0 : i32
      %dma_wait3A_335 = arith.constant 0 : i32
      %dma_wait3A_336 = tpu.memref_slice %arg14[%dma_wait3A_334, %dma_wait3A_335] : memref<313x32xi32, #tpu.memory_space<vmem>> -> memref<1x32xi32, #tpu.memory_space<vmem>>
      %dma_wait3A_337 = tpu.memref_squeeze %dma_wait3A_336 : memref<1x32xi32, #tpu.memory_space<vmem>> -> memref<32xi32, #tpu.memory_space<vmem>>
      %dma_wait3A_338 = arith.constant 0 : i32
      %dma_wait3A_339 = arith.constant 0 : i32
      %dma_wait3A_340 = tpu.memref_slice %arg6[%dma_wait3A_338, %dma_wait3A_339] : memref<10000x128xf32, #tpu.memory_space<vmem_shared>> -> memref<10000x128xf32, #tpu.memory_space<vmem_shared>>
      tpu.wait_indirect_dma semaphore(%arg21 : memref<!tpu.dma_semaphore, #tpu.memory_space<semaphore_mem>>) src(%arg7 : memref<32x128xf32, #tpu.memory_space<vmem>>) dst(%dma_wait3A_340 : memref<10000x128xf32, #tpu.memory_space<vmem_shared>>)
      %add3A_341 = arith.constant 2 : i32
      %add3A_342 = arith.addi %mul3A_250, %add3A_341 : i32
      %add3A_343 = arith.constant 4 : i32
      %add3A_344 = arith.addi %add3A_342, %add3A_343 : i32
      %min3A_345 = arith.constant 311 : i32
      %min3A_346 = arith.minsi %add3A_344, %min3A_345 : i32
      %dma_start3A_347 = arith.constant 0 : i32
      %dma_start3A_348 = tpu.memref_slice %arg13[%min3A_346, %dma_start3A_347] : memref<313x32xi32, #tpu.memory_space<vmem>> -> memref<1x32xi32, #tpu.memory_space<vmem>>
      %dma_start3A_349 = tpu.memref_squeeze %dma_start3A_348 : memref<1x32xi32, #tpu.memory_space<vmem>> -> memref<32xi32, #tpu.memory_space<vmem>>
      %dma_start3A_350 = arith.constant 0 : i32
      %dma_start3A_351 = arith.constant 0 : i32
      %dma_start3A_352 = tpu.memref_slice %arg2[%dma_start3A_350, %dma_start3A_351] : memref<10000x128xf32, #tpu.memory_space<hbm>> -> memref<10000x128xf32, #tpu.memory_space<hbm>>
      tpu.enqueue_indirect_dma source(%dma_start3A_352 : memref<10000x128xf32, #tpu.memory_space<hbm>>) target(%arg7 : memref<32x128xf32, #tpu.memory_space<vmem>>) offsets(%dma_start3A_349 : memref<32xi32, #tpu.memory_space<vmem>>) semaphore(%arg15 : memref<!tpu.dma_semaphore, #tpu.memory_space<semaphore_mem>>)
      %dma_wait3A_353 = arith.constant 0 : i32
      %dma_wait3A_354 = arith.constant 0 : i32
      %dma_wait3A_355 = tpu.memref_slice %arg13[%dma_wait3A_353, %dma_wait3A_354] : memref<313x32xi32, #tpu.memory_space<vmem>> -> memref<1x32xi32, #tpu.memory_space<vmem>>
      %dma_wait3A_356 = tpu.memref_squeeze %dma_wait3A_355 : memref<1x32xi32, #tpu.memory_space<vmem>> -> memref<32xi32, #tpu.memory_space<vmem>>
      %dma_wait3A_357 = arith.constant 0 : i32
      %dma_wait3A_358 = arith.constant 0 : i32
      %dma_wait3A_359 = tpu.memref_slice %arg2[%dma_wait3A_357, %dma_wait3A_358] : memref<10000x128xf32, #tpu.memory_space<hbm>> -> memref<10000x128xf32, #tpu.memory_space<hbm>>
      tpu.wait_indirect_dma semaphore(%arg18 : memref<!tpu.dma_semaphore, #tpu.memory_space<semaphore_mem>>) src(%dma_wait3A_359 : memref<10000x128xf32, #tpu.memory_space<hbm>>) dst(%arg10 : memref<32x128xf32, #tpu.memory_space<vmem>>)
      %add3A_360 = arith.constant 3 : i32
      %add3A_361 = arith.addi %mul3A_250, %add3A_360 : i32
      %dma_start3A_362 = arith.constant 0 : i32
      %dma_start3A_363 = tpu.memref_slice %arg14[%add3A_361, %dma_start3A_362] : memref<313x32xi32, #tpu.memory_space<vmem>> -> memref<1x32xi32, #tpu.memory_space<vmem>>
      %dma_start3A_364 = tpu.memref_squeeze %dma_start3A_363 : memref<1x32xi32, #tpu.memory_space<vmem>> -> memref<32xi32, #tpu.memory_space<vmem>>
      %dma_start3A_365 = arith.constant 0 : i32
      %dma_start3A_366 = arith.constant 0 : i32
      %dma_start3A_367 = tpu.memref_slice %arg6[%dma_start3A_365, %dma_start3A_366] : memref<10000x128xf32, #tpu.memory_space<vmem_shared>> -> memref<10000x128xf32, #tpu.memory_space<vmem_shared>>
      tpu.enqueue_indirect_dma source(%arg10 : memref<32x128xf32, #tpu.memory_space<vmem>>) target(%dma_start3A_367 : memref<10000x128xf32, #tpu.memory_space<vmem_shared>>) offsets(%dma_start3A_364 : memref<32xi32, #tpu.memory_space<vmem>>) semaphore(%arg24 : memref<!tpu.dma_semaphore, #tpu.memory_space<semaphore_mem>>) {add = true}
      %dma_wait3A_368 = arith.constant 0 : i32
      %dma_wait3A_369 = arith.constant 0 : i32
      %dma_wait3A_370 = tpu.memref_slice %arg14[%dma_wait3A_368, %dma_wait3A_369] : memref<313x32xi32, #tpu.memory_space<vmem>> -> memref<1x32xi32, #tpu.memory_space<vmem>>
      %dma_wait3A_371 = tpu.memref_squeeze %dma_wait3A_370 : memref<1x32xi32, #tpu.memory_space<vmem>> -> memref<32xi32, #tpu.memory_space<vmem>>
      %dma_wait3A_372 = arith.constant 0 : i32
      %dma_wait3A_373 = arith.constant 0 : i32
      %dma_wait3A_374 = tpu.memref_slice %arg6[%dma_wait3A_372, %dma_wait3A_373] : memref<10000x128xf32, #tpu.memory_space<vmem_shared>> -> memref<10000x128xf32, #tpu.memory_space<vmem_shared>>
      tpu.wait_indirect_dma semaphore(%arg22 : memref<!tpu.dma_semaphore, #tpu.memory_space<semaphore_mem>>) src(%arg8 : memref<32x128xf32, #tpu.memory_space<vmem>>) dst(%dma_wait3A_374 : memref<10000x128xf32, #tpu.memory_space<vmem_shared>>)
      %add3A_375 = arith.constant 3 : i32
      %add3A_376 = arith.addi %mul3A_250, %add3A_375 : i32
      %add3A_377 = arith.constant 4 : i32
      %add3A_378 = arith.addi %add3A_376, %add3A_377 : i32
      %min3A_379 = arith.constant 311 : i32
      %min3A_380 = arith.minsi %add3A_378, %min3A_379 : i32
      %dma_start3A_381 = arith.constant 0 : i32
      %dma_start3A_382 = tpu.memref_slice %arg13[%min3A_380, %dma_start3A_381] : memref<313x32xi32, #tpu.memory_space<vmem>> -> memref<1x32xi32, #tpu.memory_space<vmem>>
      %dma_start3A_383 = tpu.memref_squeeze %dma_start3A_382 : memref<1x32xi32, #tpu.memory_space<vmem>> -> memref<32xi32, #tpu.memory_space<vmem>>
      %dma_start3A_384 = arith.constant 0 : i32
      %dma_start3A_385 = arith.constant 0 : i32
      %dma_start3A_386 = tpu.memref_slice %arg2[%dma_start3A_384, %dma_start3A_385] : memref<10000x128xf32, #tpu.memory_space<hbm>> -> memref<10000x128xf32, #tpu.memory_space<hbm>>
      tpu.enqueue_indirect_dma source(%dma_start3A_386 : memref<10000x128xf32, #tpu.memory_space<hbm>>) target(%arg8 : memref<32x128xf32, #tpu.memory_space<vmem>>) offsets(%dma_start3A_383 : memref<32xi32, #tpu.memory_space<vmem>>) semaphore(%arg16 : memref<!tpu.dma_semaphore, #tpu.memory_space<semaphore_mem>>)
      %dma_wait3A_387 = arith.constant 0 : i32
      %dma_wait3A_388 = arith.constant 0 : i32
      %dma_wait3A_389 = tpu.memref_slice %arg13[%dma_wait3A_387, %dma_wait3A_388] : memref<313x32xi32, #tpu.memory_space<vmem>> -> memref<1x32xi32, #tpu.memory_space<vmem>>
      %dma_wait3A_390 = tpu.memref_squeeze %dma_wait3A_389 : memref<1x32xi32, #tpu.memory_space<vmem>> -> memref<32xi32, #tpu.memory_space<vmem>>
      %dma_wait3A_391 = arith.constant 0 : i32
      %dma_wait3A_392 = arith.constant 0 : i32
      %dma_wait3A_393 = tpu.memref_slice %arg2[%dma_wait3A_391, %dma_wait3A_392] : memref<10000x128xf32, #tpu.memory_space<hbm>> -> memref<10000x128xf32, #tpu.memory_space<hbm>>
      tpu.wait_indirect_dma semaphore(%arg19 : memref<!tpu.dma_semaphore, #tpu.memory_space<semaphore_mem>>) src(%dma_wait3A_393 : memref<10000x128xf32, #tpu.memory_space<hbm>>) dst(%arg11 : memref<32x128xf32, #tpu.memory_space<vmem>>)
      %add3A_394 = arith.constant 4 : i32
      %add3A_395 = arith.addi %mul3A_250, %add3A_394 : i32
      %dma_start3A_396 = arith.constant 0 : i32
      %dma_start3A_397 = tpu.memref_slice %arg14[%add3A_395, %dma_start3A_396] : memref<313x32xi32, #tpu.memory_space<vmem>> -> memref<1x32xi32, #tpu.memory_space<vmem>>
      %dma_start3A_398 = tpu.memref_squeeze %dma_start3A_397 : memref<1x32xi32, #tpu.memory_space<vmem>> -> memref<32xi32, #tpu.memory_space<vmem>>
      %dma_start3A_399 = arith.constant 0 : i32
      %dma_start3A_400 = arith.constant 0 : i32
      %dma_start3A_401 = tpu.memref_slice %arg6[%dma_start3A_399, %dma_start3A_400] : memref<10000x128xf32, #tpu.memory_space<vmem_shared>> -> memref<10000x128xf32, #tpu.memory_space<vmem_shared>>
      tpu.enqueue_indirect_dma source(%arg11 : memref<32x128xf32, #tpu.memory_space<vmem>>) target(%dma_start3A_401 : memref<10000x128xf32, #tpu.memory_space<vmem_shared>>) offsets(%dma_start3A_398 : memref<32xi32, #tpu.memory_space<vmem>>) semaphore(%arg25 : memref<!tpu.dma_semaphore, #tpu.memory_space<semaphore_mem>>) {add = true}
      %dma_wait3A_402 = arith.constant 0 : i32
      %dma_wait3A_403 = arith.constant 0 : i32
      %dma_wait3A_404 = tpu.memref_slice %arg14[%dma_wait3A_402, %dma_wait3A_403] : memref<313x32xi32, #tpu.memory_space<vmem>> -> memref<1x32xi32, #tpu.memory_space<vmem>>
      %dma_wait3A_405 = tpu.memref_squeeze %dma_wait3A_404 : memref<1x32xi32, #tpu.memory_space<vmem>> -> memref<32xi32, #tpu.memory_space<vmem>>
      %dma_wait3A_406 = arith.constant 0 : i32
      %dma_wait3A_407 = arith.constant 0 : i32
      %dma_wait3A_408 = tpu.memref_slice %arg6[%dma_wait3A_406, %dma_wait3A_407] : memref<10000x128xf32, #tpu.memory_space<vmem_shared>> -> memref<10000x128xf32, #tpu.memory_space<vmem_shared>>
      tpu.wait_indirect_dma semaphore(%arg23 : memref<!tpu.dma_semaphore, #tpu.memory_space<semaphore_mem>>) src(%arg9 : memref<32x128xf32, #tpu.memory_space<vmem>>) dst(%dma_wait3A_408 : memref<10000x128xf32, #tpu.memory_space<vmem_shared>>)
      %add3A_409 = arith.constant 4 : i32
      %add3A_410 = arith.addi %mul3A_250, %add3A_409 : i32
      %add3A_411 = arith.constant 4 : i32
      %add3A_412 = arith.addi %add3A_410, %add3A_411 : i32
      %min3A_413 = arith.constant 311 : i32
      %min3A_414 = arith.minsi %add3A_412, %min3A_413 : i32
      %dma_start3A_415 = arith.constant 0 : i32
      %dma_start3A_416 = tpu.memref_slice %arg13[%min3A_414, %dma_start3A_415] : memref<313x32xi32, #tpu.memory_space<vmem>> -> memref<1x32xi32, #tpu.memory_space<vmem>>
      %dma_start3A_417 = tpu.memref_squeeze %dma_start3A_416 : memref<1x32xi32, #tpu.memory_space<vmem>> -> memref<32xi32, #tpu.memory_space<vmem>>
      %dma_start3A_418 = arith.constant 0 : i32
      %dma_start3A_419 = arith.constant 0 : i32
      %dma_start3A_420 = tpu.memref_slice %arg2[%dma_start3A_418, %dma_start3A_419] : memref<10000x128xf32, #tpu.memory_space<hbm>> -> memref<10000x128xf32, #tpu.memory_space<hbm>>
      tpu.enqueue_indirect_dma source(%dma_start3A_420 : memref<10000x128xf32, #tpu.memory_space<hbm>>) target(%arg9 : memref<32x128xf32, #tpu.memory_space<vmem>>) offsets(%dma_start3A_417 : memref<32xi32, #tpu.memory_space<vmem>>) semaphore(%arg17 : memref<!tpu.dma_semaphore, #tpu.memory_space<semaphore_mem>>)
      %dma_wait3A_421 = arith.constant 0 : i32
      %dma_wait3A_422 = arith.constant 0 : i32
      %dma_wait3A_423 = tpu.memref_slice %arg13[%dma_wait3A_421, %dma_wait3A_422] : memref<313x32xi32, #tpu.memory_space<vmem>> -> memref<1x32xi32, #tpu.memory_space<vmem>>
      %dma_wait3A_424 = tpu.memref_squeeze %dma_wait3A_423 : memref<1x32xi32, #tpu.memory_space<vmem>> -> memref<32xi32, #tpu.memory_space<vmem>>
      %dma_wait3A_425 = arith.constant 0 : i32
      %dma_wait3A_426 = arith.constant 0 : i32
      %dma_wait3A_427 = tpu.memref_slice %arg2[%dma_wait3A_425, %dma_wait3A_426] : memref<10000x128xf32, #tpu.memory_space<hbm>> -> memref<10000x128xf32, #tpu.memory_space<hbm>>
      tpu.wait_indirect_dma semaphore(%arg20 : memref<!tpu.dma_semaphore, #tpu.memory_space<semaphore_mem>>) src(%dma_wait3A_427 : memref<10000x128xf32, #tpu.memory_space<hbm>>) dst(%arg12 : memref<32x128xf32, #tpu.memory_space<vmem>>)
      %add3A_428 = arith.constant 5 : i32
      %add3A_429 = arith.addi %mul3A_250, %add3A_428 : i32
      %dma_start3A_430 = arith.constant 0 : i32
      %dma_start3A_431 = tpu.memref_slice %arg14[%add3A_429, %dma_start3A_430] : memref<313x32xi32, #tpu.memory_space<vmem>> -> memref<1x32xi32, #tpu.memory_space<vmem>>
      %dma_start3A_432 = tpu.memref_squeeze %dma_start3A_431 : memref<1x32xi32, #tpu.memory_space<vmem>> -> memref<32xi32, #tpu.memory_space<vmem>>
      %dma_start3A_433 = arith.constant 0 : i32
      %dma_start3A_434 = arith.constant 0 : i32
      %dma_start3A_435 = tpu.memref_slice %arg6[%dma_start3A_433, %dma_start3A_434] : memref<10000x128xf32, #tpu.memory_space<vmem_shared>> -> memref<10000x128xf32, #tpu.memory_space<vmem_shared>>
      tpu.enqueue_indirect_dma source(%arg12 : memref<32x128xf32, #tpu.memory_space<vmem>>) target(%dma_start3A_435 : memref<10000x128xf32, #tpu.memory_space<vmem_shared>>) offsets(%dma_start3A_432 : memref<32xi32, #tpu.memory_space<vmem>>) semaphore(%arg26 : memref<!tpu.dma_semaphore, #tpu.memory_space<semaphore_mem>>) {add = true}
      %dma_wait3A_436 = arith.constant 0 : i32
      %dma_wait3A_437 = arith.constant 0 : i32
      %dma_wait3A_438 = tpu.memref_slice %arg14[%dma_wait3A_436, %dma_wait3A_437] : memref<313x32xi32, #tpu.memory_space<vmem>> -> memref<1x32xi32, #tpu.memory_space<vmem>>
      %dma_wait3A_439 = tpu.memref_squeeze %dma_wait3A_438 : memref<1x32xi32, #tpu.memory_space<vmem>> -> memref<32xi32, #tpu.memory_space<vmem>>
      %dma_wait3A_440 = arith.constant 0 : i32
      %dma_wait3A_441 = arith.constant 0 : i32
      %dma_wait3A_442 = tpu.memref_slice %arg6[%dma_wait3A_440, %dma_wait3A_441] : memref<10000x128xf32, #tpu.memory_space<vmem_shared>> -> memref<10000x128xf32, #tpu.memory_space<vmem_shared>>
      tpu.wait_indirect_dma semaphore(%arg24 : memref<!tpu.dma_semaphore, #tpu.memory_space<semaphore_mem>>) src(%arg10 : memref<32x128xf32, #tpu.memory_space<vmem>>) dst(%dma_wait3A_442 : memref<10000x128xf32, #tpu.memory_space<vmem_shared>>)
      %add3A_443 = arith.constant 5 : i32
      %add3A_444 = arith.addi %mul3A_250, %add3A_443 : i32
      %add3A_445 = arith.constant 4 : i32
      %add3A_446 = arith.addi %add3A_444, %add3A_445 : i32
      %min3A_447 = arith.constant 311 : i32
      %min3A_448 = arith.minsi %add3A_446, %min3A_447 : i32
      %dma_start3A_449 = arith.constant 0 : i32
      %dma_start3A_450 = tpu.memref_slice %arg13[%min3A_448, %dma_start3A_449] : memref<313x32xi32, #tpu.memory_space<vmem>> -> memref<1x32xi32, #tpu.memory_space<vmem>>
      %dma_start3A_451 = tpu.memref_squeeze %dma_start3A_450 : memref<1x32xi32, #tpu.memory_space<vmem>> -> memref<32xi32, #tpu.memory_space<vmem>>
      %dma_start3A_452 = arith.constant 0 : i32
      %dma_start3A_453 = arith.constant 0 : i32
      %dma_start3A_454 = tpu.memref_slice %arg2[%dma_start3A_452, %dma_start3A_453] : memref<10000x128xf32, #tpu.memory_space<hbm>> -> memref<10000x128xf32, #tpu.memory_space<hbm>>
      tpu.enqueue_indirect_dma source(%dma_start3A_454 : memref<10000x128xf32, #tpu.memory_space<hbm>>) target(%arg10 : memref<32x128xf32, #tpu.memory_space<vmem>>) offsets(%dma_start3A_451 : memref<32xi32, #tpu.memory_space<vmem>>) semaphore(%arg18 : memref<!tpu.dma_semaphore, #tpu.memory_space<semaphore_mem>>)
    }
    %scan3A_197 = arith.constant 51 : i32
    %dma_wait3A_198 = arith.constant 0 : i32
    %dma_wait3A_199 = arith.constant 0 : i32
    %dma_wait3A_200 = tpu.memref_slice %arg13[%dma_wait3A_198, %dma_wait3A_199] : memref<313x32xi32, #tpu.memory_space<vmem>> -> memref<1x32xi32, #tpu.memory_space<vmem>>
    %dma_wait3A_201 = tpu.memref_squeeze %dma_wait3A_200 : memref<1x32xi32, #tpu.memory_space<vmem>> -> memref<32xi32, #tpu.memory_space<vmem>>
    %dma_wait3A_202 = arith.constant 0 : i32
    %dma_wait3A_203 = arith.constant 0 : i32
    %dma_wait3A_204 = tpu.memref_slice %arg2[%dma_wait3A_202, %dma_wait3A_203] : memref<10000x128xf32, #tpu.memory_space<hbm>> -> memref<10000x128xf32, #tpu.memory_space<hbm>>
    tpu.wait_indirect_dma semaphore(%arg15 : memref<!tpu.dma_semaphore, #tpu.memory_space<semaphore_mem>>) src(%dma_wait3A_204 : memref<10000x128xf32, #tpu.memory_space<hbm>>) dst(%arg7 : memref<32x128xf32, #tpu.memory_space<vmem>>)
    %dma_wait3A_205 = arith.constant 0 : i32
    %dma_wait3A_206 = arith.constant 0 : i32
    %dma_wait3A_207 = tpu.memref_slice %arg13[%dma_wait3A_205, %dma_wait3A_206] : memref<313x32xi32, #tpu.memory_space<vmem>> -> memref<1x32xi32, #tpu.memory_space<vmem>>
    %dma_wait3A_208 = tpu.memref_squeeze %dma_wait3A_207 : memref<1x32xi32, #tpu.memory_space<vmem>> -> memref<32xi32, #tpu.memory_space<vmem>>
    %dma_wait3A_209 = arith.constant 0 : i32
    %dma_wait3A_210 = arith.constant 0 : i32
    %dma_wait3A_211 = tpu.memref_slice %arg2[%dma_wait3A_209, %dma_wait3A_210] : memref<10000x128xf32, #tpu.memory_space<hbm>> -> memref<10000x128xf32, #tpu.memory_space<hbm>>
    tpu.wait_indirect_dma semaphore(%arg16 : memref<!tpu.dma_semaphore, #tpu.memory_space<semaphore_mem>>) src(%dma_wait3A_211 : memref<10000x128xf32, #tpu.memory_space<hbm>>) dst(%arg8 : memref<32x128xf32, #tpu.memory_space<vmem>>)
    %dma_wait3A_212 = arith.constant 0 : i32
    %dma_wait3A_213 = arith.constant 0 : i32
    %dma_wait3A_214 = tpu.memref_slice %arg13[%dma_wait3A_212, %dma_wait3A_213] : memref<313x32xi32, #tpu.memory_space<vmem>> -> memref<1x32xi32, #tpu.memory_space<vmem>>
    %dma_wait3A_215 = tpu.memref_squeeze %dma_wait3A_214 : memref<1x32xi32, #tpu.memory_space<vmem>> -> memref<32xi32, #tpu.memory_space<vmem>>
    %dma_wait3A_216 = arith.constant 0 : i32
    %dma_wait3A_217 = arith.constant 0 : i32
    %dma_wait3A_218 = tpu.memref_slice %arg2[%dma_wait3A_216, %dma_wait3A_217] : memref<10000x128xf32, #tpu.memory_space<hbm>> -> memref<10000x128xf32, #tpu.memory_space<hbm>>
    tpu.wait_indirect_dma semaphore(%arg17 : memref<!tpu.dma_semaphore, #tpu.memory_space<semaphore_mem>>) src(%dma_wait3A_218 : memref<10000x128xf32, #tpu.memory_space<hbm>>) dst(%arg9 : memref<32x128xf32, #tpu.memory_space<vmem>>)
    %dma_wait3A_219 = arith.constant 0 : i32
    %dma_wait3A_220 = arith.constant 0 : i32
    %dma_wait3A_221 = tpu.memref_slice %arg13[%dma_wait3A_219, %dma_wait3A_220] : memref<313x32xi32, #tpu.memory_space<vmem>> -> memref<1x32xi32, #tpu.memory_space<vmem>>
    %dma_wait3A_222 = tpu.memref_squeeze %dma_wait3A_221 : memref<1x32xi32, #tpu.memory_space<vmem>> -> memref<32xi32, #tpu.memory_space<vmem>>
    %dma_wait3A_223 = arith.constant 0 : i32
    %dma_wait3A_224 = arith.constant 0 : i32
    %dma_wait3A_225 = tpu.memref_slice %arg2[%dma_wait3A_223, %dma_wait3A_224] : memref<10000x128xf32, #tpu.memory_space<hbm>> -> memref<10000x128xf32, #tpu.memory_space<hbm>>
    tpu.wait_indirect_dma semaphore(%arg18 : memref<!tpu.dma_semaphore, #tpu.memory_space<semaphore_mem>>) src(%dma_wait3A_225 : memref<10000x128xf32, #tpu.memory_space<hbm>>) dst(%arg10 : memref<32x128xf32, #tpu.memory_space<vmem>>)
    %dma_wait3A_226 = arith.constant 0 : i32
    %dma_wait3A_227 = arith.constant 0 : i32
    %dma_wait3A_228 = tpu.memref_slice %arg14[%dma_wait3A_226, %dma_wait3A_227] : memref<313x32xi32, #tpu.memory_space<vmem>> -> memref<1x32xi32, #tpu.memory_space<vmem>>
    %dma_wait3A_229 = tpu.memref_squeeze %dma_wait3A_228 : memref<1x32xi32, #tpu.memory_space<vmem>> -> memref<32xi32, #tpu.memory_space<vmem>>
    %dma_wait3A_230 = arith.constant 0 : i32
    %dma_wait3A_231 = arith.constant 0 : i32
    %dma_wait3A_232 = tpu.memref_slice %arg6[%dma_wait3A_230, %dma_wait3A_231] : memref<10000x128xf32, #tpu.memory_space<vmem_shared>> -> memref<10000x128xf32, #tpu.memory_space<vmem_shared>>
    tpu.wait_indirect_dma semaphore(%arg25 : memref<!tpu.dma_semaphore, #tpu.memory_space<semaphore_mem>>) src(%arg11 : memref<32x128xf32, #tpu.memory_space<vmem>>) dst(%dma_wait3A_232 : memref<10000x128xf32, #tpu.memory_space<vmem_shared>>)
    %dma_wait3A_233 = arith.constant 0 : i32
    %dma_wait3A_234 = arith.constant 0 : i32
    %dma_wait3A_235 = tpu.memref_slice %arg14[%dma_wait3A_233, %dma_wait3A_234] : memref<313x32xi32, #tpu.memory_space<vmem>> -> memref<1x32xi32, #tpu.memory_space<vmem>>
    %dma_wait3A_236 = tpu.memref_squeeze %dma_wait3A_235 : memref<1x32xi32, #tpu.memory_space<vmem>> -> memref<32xi32, #tpu.memory_space<vmem>>
    %dma_wait3A_237 = arith.constant 0 : i32
    %dma_wait3A_238 = arith.constant 0 : i32
    %dma_wait3A_239 = tpu.memref_slice %arg6[%dma_wait3A_237, %dma_wait3A_238] : memref<10000x128xf32, #tpu.memory_space<vmem_shared>> -> memref<10000x128xf32, #tpu.memory_space<vmem_shared>>
    tpu.wait_indirect_dma semaphore(%arg26 : memref<!tpu.dma_semaphore, #tpu.memory_space<semaphore_mem>>) src(%arg12 : memref<32x128xf32, #tpu.memory_space<vmem>>) dst(%dma_wait3A_239 : memref<10000x128xf32, #tpu.memory_space<vmem_shared>>)
    %convert_element_type3A_240 = arith.extui %lt3A_1 : i1 to i32
    %cond3A_241 = arith.constant 0 : i32
    %cond3A_242 = arith.cmpi ne, %convert_element_type3A_240, %cond3A_241 : i32
    scf.if %cond3A_242 {
      %dma_start3A_248 = arith.constant 312 : i32
      %dma_start3A_249 = arith.constant 0 : i32
      %dma_start3A_250 = tpu.memref_slice %arg13[%dma_start3A_248, %dma_start3A_249] : memref<313x32xi32, #tpu.memory_space<vmem>> -> memref<1x32xi32, #tpu.memory_space<vmem>>
      %dma_start3A_251 = tpu.memref_squeeze %dma_start3A_250 : memref<1x32xi32, #tpu.memory_space<vmem>> -> memref<32xi32, #tpu.memory_space<vmem>>
      %dma_start3A_252 = arith.constant 0 : i32
      %dma_start3A_253 = arith.constant 0 : i32
      %dma_start3A_254 = tpu.memref_slice %arg2[%dma_start3A_252, %dma_start3A_253] : memref<10000x128xf32, #tpu.memory_space<hbm>> -> memref<10000x128xf32, #tpu.memory_space<hbm>>
      tpu.enqueue_indirect_dma source(%dma_start3A_254 : memref<10000x128xf32, #tpu.memory_space<hbm>>) target(%arg7 : memref<32x128xf32, #tpu.memory_space<vmem>>) offsets(%dma_start3A_251 : memref<32xi32, #tpu.memory_space<vmem>>) semaphore(%arg15 : memref<!tpu.dma_semaphore, #tpu.memory_space<semaphore_mem>>)
      %dma_wait3A_255 = arith.constant 312 : i32
      %dma_wait3A_256 = arith.constant 0 : i32
      %dma_wait3A_257 = tpu.memref_slice %arg13[%dma_wait3A_255, %dma_wait3A_256] : memref<313x32xi32, #tpu.memory_space<vmem>> -> memref<1x32xi32, #tpu.memory_space<vmem>>
      %dma_wait3A_258 = tpu.memref_squeeze %dma_wait3A_257 : memref<1x32xi32, #tpu.memory_space<vmem>> -> memref<32xi32, #tpu.memory_space<vmem>>
      %dma_wait3A_259 = arith.constant 0 : i32
      %dma_wait3A_260 = arith.constant 0 : i32
      %dma_wait3A_261 = tpu.memref_slice %arg2[%dma_wait3A_259, %dma_wait3A_260] : memref<10000x128xf32, #tpu.memory_space<hbm>> -> memref<10000x128xf32, #tpu.memory_space<hbm>>
      tpu.wait_indirect_dma semaphore(%arg15 : memref<!tpu.dma_semaphore, #tpu.memory_space<semaphore_mem>>) src(%dma_wait3A_261 : memref<10000x128xf32, #tpu.memory_space<hbm>>) dst(%arg7 : memref<32x128xf32, #tpu.memory_space<vmem>>)
      %run_scoped3A = arith.constant 312 : i32
      "tpu.region"() ({
        %run_scoped3A_262 = tpu.sem_alloc : memref<!tpu.dma_semaphore, #tpu.memory_space<semaphore_mem>>
        %dma_start3A_263 = arith.constant 0 : i32
        %dma_start3A_264 = tpu.memref_slice %arg14[%run_scoped3A, %dma_start3A_263] : memref<313x32xi32, #tpu.memory_space<vmem>> -> memref<1x32xi32, #tpu.memory_space<vmem>>
        %dma_start3A_265 = tpu.memref_squeeze %dma_start3A_264 : memref<1x32xi32, #tpu.memory_space<vmem>> -> memref<32xi32, #tpu.memory_space<vmem>>
        %dma_start3A_266 = arith.constant 0 : i32
        %dma_start3A_267 = arith.constant 0 : i32
        %dma_start3A_268 = tpu.memref_slice %arg6[%dma_start3A_266, %dma_start3A_267] : memref<10000x128xf32, #tpu.memory_space<vmem_shared>> -> memref<10000x128xf32, #tpu.memory_space<vmem_shared>>
        tpu.enqueue_indirect_dma source(%arg7 : memref<32x128xf32, #tpu.memory_space<vmem>>) target(%dma_start3A_268 : memref<10000x128xf32, #tpu.memory_space<vmem_shared>>) offsets(%dma_start3A_265 : memref<32xi32, #tpu.memory_space<vmem>>) semaphore(%run_scoped3A_262 : memref<!tpu.dma_semaphore, #tpu.memory_space<semaphore_mem>>) {add = true}
        %dma_wait3A_269 = arith.constant 0 : i32
        %dma_wait3A_270 = tpu.memref_slice %arg14[%run_scoped3A, %dma_wait3A_269] : memref<313x32xi32, #tpu.memory_space<vmem>> -> memref<1x32xi32, #tpu.memory_space<vmem>>
        %dma_wait3A_271 = tpu.memref_squeeze %dma_wait3A_270 : memref<1x32xi32, #tpu.memory_space<vmem>> -> memref<32xi32, #tpu.memory_space<vmem>>
        %dma_wait3A_272 = arith.constant 0 : i32
        %dma_wait3A_273 = arith.constant 0 : i32
        %dma_wait3A_274 = tpu.memref_slice %arg6[%dma_wait3A_272, %dma_wait3A_273] : memref<10000x128xf32, #tpu.memory_space<vmem_shared>> -> memref<10000x128xf32, #tpu.memory_space<vmem_shared>>
        tpu.wait_indirect_dma semaphore(%run_scoped3A_262 : memref<!tpu.dma_semaphore, #tpu.memory_space<semaphore_mem>>) src(%arg7 : memref<32x128xf32, #tpu.memory_space<vmem>>) dst(%dma_wait3A_274 : memref<10000x128xf32, #tpu.memory_space<vmem_shared>>)
        tpu.yield
      }) : () -> ()
    } else {
    }
    %barrier3A_243 = arith.constant 0 : index
    tpu.barrier barrier_id(%barrier3A_243)
    %mul3A_244 = arith.constant 625 : i32
    %mul3A_245 = arith.muli %arg1, %mul3A_244 : i32
    %mul3A_246 = arith.constant 625 : i32
    %mul3A_247 = arith.muli %arg1, %mul3A_246 : i32
    "tpu.region"() ({
      %run_scoped3A = tpu.sem_alloc : memref<!tpu.dma_semaphore, #tpu.memory_space<semaphore_mem>>
      %dma_start3A_248 = arith.constant 0 : i32
      %dma_start3A_249 = arith.constant 0 : i32
      %dma_start3A_250 = tpu.memref_slice %arg5[%arg0, %dma_start3A_248, %dma_start3A_249] : memref<2x10000x128xf32, #tpu.memory_space<hbm>> -> memref<1x10000x128xf32, #tpu.memory_space<hbm>>
      %dma_start3A_251 = tpu.memref_squeeze %dma_start3A_250 : memref<1x10000x128xf32, #tpu.memory_space<hbm>> -> memref<10000x128xf32, #tpu.memory_space<hbm>>
      %dma_start3A_252 = arith.constant 0 : i32
      %dma_start3A_253 = tpu.memref_slice %dma_start3A_251[%mul3A_247, %dma_start3A_252] : memref<10000x128xf32, #tpu.memory_space<hbm>> -> memref<625x128xf32, #tpu.memory_space<hbm>>
      %dma_start3A_254 = arith.constant 0 : i32
      %dma_start3A_255 = tpu.memref_slice %arg6[%mul3A_245, %dma_start3A_254] : memref<10000x128xf32, #tpu.memory_space<vmem_shared>> -> memref<625x128xf32, #tpu.memory_space<vmem_shared>>
      tpu.enqueue_dma source(%dma_start3A_255 : memref<625x128xf32, #tpu.memory_space<vmem_shared>>) target(%dma_start3A_253 : memref<625x128xf32, #tpu.memory_space<hbm>>) target_semaphore(%run_scoped3A : memref<!tpu.dma_semaphore, #tpu.memory_space<semaphore_mem>>)
      %dma_wait3A_256 = arith.constant 0 : i32
      %dma_wait3A_257 = arith.constant 0 : i32
      %dma_wait3A_258 = tpu.memref_slice %arg5[%arg0, %dma_wait3A_256, %dma_wait3A_257] : memref<2x10000x128xf32, #tpu.memory_space<hbm>> -> memref<1x10000x128xf32, #tpu.memory_space<hbm>>
      %dma_wait3A_259 = tpu.memref_squeeze %dma_wait3A_258 : memref<1x10000x128xf32, #tpu.memory_space<hbm>> -> memref<10000x128xf32, #tpu.memory_space<hbm>>
      %dma_wait3A_260 = arith.constant 0 : i32
      %dma_wait3A_261 = tpu.memref_slice %dma_wait3A_259[%mul3A_247, %dma_wait3A_260] : memref<10000x128xf32, #tpu.memory_space<hbm>> -> memref<625x128xf32, #tpu.memory_space<hbm>>
      %dma_wait3A_262 = arith.constant 0 : i32
      %dma_wait3A_263 = tpu.memref_slice %arg6[%mul3A_245, %dma_wait3A_262] : memref<10000x128xf32, #tpu.memory_space<vmem_shared>> -> memref<625x128xf32, #tpu.memory_space<vmem_shared>>
      tpu.wait_dma2 semaphore(%run_scoped3A : memref<!tpu.dma_semaphore, #tpu.memory_space<semaphore_mem>>) src(%dma_wait3A_263 : memref<625x128xf32, #tpu.memory_space<vmem_shared>>) dst(%dma_wait3A_261 : memref<625x128xf32, #tpu.memory_space<hbm>>)
      tpu.yield
    }) : () -> ()
    return
  }
}

</mosaic_0001>

<sc_bundles>
// kernel: _sc_accumulate.3.cloned.1.call-start
scs
__scs_entry_jumppad:
0x0: {  	(pc) =	sbr.rel $0x88, $3  }
0x1: {  	(tag) =	ssettag $0x0;
	lr =	simm.s32 $0x1  }
0x2: {  	[smem:$0x3F9E] =	sst lr;
	_ =	strace $0xD0000000  }
0x3: {  	_ = 	snop  }
0x4: {  	_ = 	snop  }
0x5: {  	_ = 	snop  }
0x6: {  	_ = 	snop  }
0x7: {  	_ = 	snop  }
__scs_overlays_trampoline_lowered:
0x8: {  	[smem:$0x3FAD] =	sst s0  }
0x9: {  	[smem:$0x3FAE] =	sst s1  }
0xa: {  	[smem:$0x3FAF] =	sst s2  }
0xb: {  	[smem:$0x3FB0] =	sst s3  }
0xc: {  	[smem:$0x3FB1] =	sst s4  }
0xd: {  	[smem:$0x3FB2] =	sst s5  }
0xe: {  	[smem:$0x3FB3] =	sst s6  }
0xf: {  	[smem:$0x3FB4] =	sst s7  }
0x10: {  	[smem:$0x3FB5] =	sst s8  }
0x11: {  	[smem:$0x3FB6] =	sst s9;
	s0 =	simm.s32 @!p0 $0x0  }
0x12: {  	s1 =	sld [smem:$0x3F9C];
	s0 =	simm.s32 @p0 $0x1  }
0x13: {  	[smem:$0x3FB7] =	sst s0;
	s0 =	simm.s32 @!p1 $0x0  }
0x14: {  	s2 =	sld [smem:$0x3F9B];
	s0 =	simm.s32 @p1 $0x1  }
0x15: {  	[smem:$0x3FB8] =	sst s0;
	s0 =	simm.s32 @!p2 $0x0  }
0x16: {  	s3 =	sld [smem:$0x3FDB];
	s0 =	simm.s32 @p2 $0x1  }
0x17: {  	s4 =	simm.s32 $0x1BF5;
	[smem:$0x3FBA] =	sst s0  }
0x18: {  	s0 =	sld [smem:$0x3F9D];
	_ =	swait.ge [sflag:s4], $0x0  }
0x19: {  	s7 =	sld [smem:$0x3F9E]  }
0x1a: {  	s8 =	sadd.s32 $0xFFFFE003, lr  }
0x1b: {  	s9 =	sadd.s32 $0xFFFFFEF7, lr;
	s5 =	simm.s32 $0xFFFFFFFF;
	p2 =	slt.u32 s8, $0xFFFFF086  }
0x1c: {  	p1 =	slt.u32 s9, $0xF7A;
	s5 =	simm.s32 @!p2 $0x0  }
0x1d: {  	s5 =	simm.s32 @p1 $0x1;
	p0 =	seq.s32 s7, s2  }
0x1e: {  	s7 =	smul.u32 @!p0 $0xF7A, s2;
	p2 =	seq.s32 @!p0 s5, $0x0  }
0x1f: {  	s9 =	smul.u32 $0xF7A, s1;
	s8 =	simm.s32 @!p0 $0x1BF5;
	p2 =	por !p2, p0  }
0x20: {  	[sflag:s8] =	ssyncset.s32 @!p0 $0xFFFFF086;
	s6 =	sadd.s32 @!p0 s3, s7;
	s7 =	simm.s32 @!p0 $0x108  }
0x21: {  	s3 =	sadd.s32 s3, s9;
	s6 =	sadd.s32 @!p0 $0x88, s6;
	s7 =	simm.s32 @p2 $0x1082  }
0x22: {  	[simem:s7], [sflag:s8] =	dma.local @!p0 [hbm:s6], $0xF7A  }
0x23: {  	s9 =	sor.u32 $0xD0000000, s2;
	s6 =	simm.s32 $0x108;
	_ =	swait.ge @!p0 [sflag:s8], $0x0  }
0x24: {  	s3 =	sadd.s32 $0x88, s3;
	s6 =	simm.s32 @!p1 $0x1082;
	[sflag:s4] =	ssyncset.s32 $0xFFFFF086  }
0x25: {  	[simem:s6], [sflag:s4] =	dma.local [hbm:s3], $0xF7A  }
0x26: {  	[smem:$0x3F9E] =	sst s1;
	(tag) =	ssettag s2;
	_ =	strace s9  }
0x27: {  	s1 =	sld [smem:$0x3FAE]  }
0x28: {  	s2 =	sld [smem:$0x3FAF]  }
0x29: {  	s4 =	sld [smem:$0x3FB1]  }
0x2a: {  	p0 =	seq.s32 s5, $0x0;
	s5 =	sld [smem:$0x3FB2]  }
0x2b: {  	s6 =	sld [smem:$0x3FB3]  }
0x2c: {  	s7 =	sld [smem:$0x3FB4]  }
0x2d: {  	s3 =	simm.s32 $0x108;
	s8 =	sld [smem:$0x3FB5]  }
0x2e: {  	s3 =	simm.s32 @!p0 $0x1082;
	s9 =	sld [smem:$0x3FB6]  }
0x2f: {  	lr =	sadd.s32 s0, s3;
	s0 =	sld [smem:$0x3FAD]  }
0x30: {  	s3 =	sld [smem:$0x3FB0]  }
0x31: {  	[smem:$0x3FB9] =	sst s10  }
0x32: {  	s10 =	sld [smem:$0x3FB7];
	_ =	sdelay $0x3  }
0x33: {  	p0 =	seq.s32 s10, $0x1;
	s10 =	sld [smem:$0x3FB9];
	_ =	sdelay $0x3  }
0x34: {  	[smem:$0x3FB9] =	sst s10  }
0x35: {  	s10 =	sld [smem:$0x3FB8];
	_ =	sdelay $0x3  }
0x36: {  	p1 =	seq.s32 s10, $0x1;
	s10 =	sld [smem:$0x3FB9];
	_ =	sdelay $0x3  }
0x37: {  	[smem:$0x3FB9] =	sst s10  }
0x38: {  	s10 =	sld [smem:$0x3FBA]  }
0x39: {  	_ = 	snop;
	(pc) =	sbr.ind lr, $3  }
0x3a: {  	_ = 	snop  }
0x3b: {  	_ = 	snop  }
0x3c: {  	p2 =	seq.s32 s10, $0x1;
	s10 =	sld [smem:$0x3FB9]  }
0x3d: {  	_ =	shalt  }
0x3e: {  	_ =	shalt  }
0x3f: {  	_ =	shalt  }
0x40: {  	_ =	shalt  }
0x41: {  	_ =	shalt  }
0x42: {  	_ =	shalt  }
0x43: {  	_ =	shalt  }
0x44: {  	_ =	shalt  }
0x45: {  	_ =	shalt  }
0x46: {  	_ =	shalt  }
0x47: {  	_ =	shalt  }
0x48: {  	_ =	shalt  }
0x49: {  	_ =	shalt  }
0x4a: {  	_ =	shalt  }
0x4b: {  	_ =	shalt  }
0x4c: {  	_ =	shalt  }
0x4d: {  	_ =	shalt  }
0x4e: {  	_ =	shalt  }
0x4f: {  	_ =	shalt  }
0x50: {  	_ =	shalt  }
0x51: {  	_ =	shalt  }
0x52: {  	_ =	shalt  }
0x53: {  	_ =	shalt  }
0x54: {  	_ =	shalt  }
0x55: {  	_ =	shalt  }
0x56: {  	_ =	shalt  }
0x57: {  	_ =	shalt  }
0x58: {  	_ =	shalt  }
0x59: {  	_ =	shalt  }
0x5a: {  	_ =	shalt  }
0x5b: {  	_ =	shalt  }
0x5c: {  	_ =	shalt  }
0x5d: {  	_ =	shalt  }
0x5e: {  	_ =	shalt  }
0x5f: {  	_ =	shalt  }
0x60: {  	_ =	shalt  }
0x61: {  	_ =	shalt  }
0x62: {  	_ =	shalt  }
0x63: {  	_ =	shalt  }
0x64: {  	_ =	shalt  }
0x65: {  	_ =	shalt  }
0x66: {  	_ =	shalt  }
0x67: {  	_ =	shalt  }
0x68: {  	_ =	shalt  }
0x69: {  	_ =	shalt  }
0x6a: {  	_ =	shalt  }
0x6b: {  	_ =	shalt  }
0x6c: {  	_ =	shalt  }
0x6d: {  	_ =	shalt  }
0x6e: {  	_ =	shalt  }
0x6f: {  	_ =	shalt  }
0x70: {  	_ =	shalt  }
0x71: {  	_ =	shalt  }
0x72: {  	_ =	shalt  }
0x73: {  	_ =	shalt  }
0x74: {  	_ =	shalt  }
0x75: {  	_ =	shalt  }
0x76: {  	_ =	shalt  }
0x77: {  	_ =	shalt  }
0x78: {  	_ =	shalt  }
0x79: {  	_ =	shalt  }
0x7a: {  	_ =	shalt  }
0x7b: {  	_ =	shalt  }
0x7c: {  	_ =	shalt  }
0x7d: {  	_ =	shalt  }
0x7e: {  	_ =	shalt  }
0x7f: {  	_ =	shalt  }
0x80: {  	_ =	shalt  }
0x81: {  	_ =	shalt  }
0x82: {  	_ =	shalt  }
0x83: {  	_ =	shalt  }
0x84: {  	_ =	shalt  }
0x85: {  	_ =	shalt  }
0x86: {  	_ =	shalt  }
0x87: {  	_ =	shalt  }
.Lfunc_end0:
.L_simem_size_0:
called_computation_lowered:
.L_overlay_start_0:
0x88: {  	s2 =	sld [smem:$0x3FD9]  }
0x89: {  	s3 =	sld [smem:$0x3FFE];
	_ =	sdelay $0x1  }
0x8a: {  	s1 =	srdreg.scid  }
0x8b: {  	s0 =	sand.u32 $0x1, s1  }
0x8c: {  	s17 =	sshll.u32 s0, $0xA;
	s2 =	sadd.s32 s3, s2  }
0x8d: {  	s2 =	sadd.s32 s2, s17  }
0x8e: {  	[smem:$0x3FC5] =	sst s2  }
0x8f: {  	_ = 	snop  }
0x90: {  	s2 =	sld [smem:$0x3FC9]  }
0x91: {  	s18 =	sld [smem:$0x3FC7]  }
0x92: {  	s4 =	sld [smem:$0x3FD0];
	(tm) =	ssettm $0x1  }
0x93: {  	s5 =	sld [smem:$0x3FFB];
	_ =	sdelay $0x3  }
0x94: {  	_ =	strace s5  }
0x95: {  	s5 =	sld [smem:$0x3FFC];
	_ =	sdelay $0x3  }
0x96: {  	_ =	strace s5  }
0x97: {  	s5 =	sld [smem:$0x3FFD];
	_ =	sdelay $0x3  }
0x98: {  	_ =	strace s5  }
0x99: {  	_ =	strace $0x8FFFFFFF  }
0x9a: {  	s19 =	sld [smem:$0x3FDB];
	_ =	sdelay $0x1  }
0x9b: {  	s6 =	simm.s32 $_scs_section_size  }
0x9c: {  	s7 =	simm.s32 $_size__tile_overlayer_lowered;
	s8 =	simm.s32 $_tile_overlayer_lowered  }
0x9d: {  	s22 =	simm.s32 $0x1BFF;
	s21 =	sshll.u32 s8, $0x1;
	s5 =	sadd.s32 s6, s19  }
0x9e: {  	s9 =	simm.s32 $0x0;
	s20 =	sshll.u32 s7, $0x1;
	s7 =	sadd.s32 s21, s5  }
0x9f: {  	[timem:s9], [sflag:s22] =	dma.local [hbm:s7], s20  }
0xa0: {  	_ =	swait.ge [sflag:s22], s20  }
0xa1: {  	s6 =	ssub.s32 $0x0, s20;
	[sflag:s22] =	ssyncset.done $0x0  }
0xa2: {  	[sflag:s22] =	ssyncadd.s32 s6;
	_ =	sdelay $0x1  }
0xa3: {  	s23 =	simm.s32 $0x1B8B  }
0xa4: {  	_ =	swait.ge [sflag:s23], $0x1  }
0xa5: {  	[sflag:s23] =	ssyncset.done $0x0  }
0xa6: {  	s25 =	simm.s32 $0x1B8E;
	s24 =	sld [smem:$0x3FFE];
	[sflag:s23] =	ssyncadd.s32 $0xFFFFFFFF  }
0xa7: {  	s26 =	simm.s32 $execute0_lowered;
	[smem:$0x3FD2] =	sst s25  }
0xa8: {  	s7 =	sshll.u32 s26, $0x1;
	_ =	strace $0x80000046;
	[dreg:$0x1] =	wrdreg $0xFFFFFFFF  }
0xa9: {  	s28 =	simm.s32 $_size_execute0_lowered;
	s5 =	sadd.s32 s5, s7;
	[dreg:$0x0] =	wrdreg $0x0  }
0xaa: {  	s7 =	sshll.u32 s28, $0x1;
	[dreg:$0x2] =	wrdreg s5  }
0xab: {  	[dreg:$0x3] =	wrdreg s7  }
0xac: {  	[dreg:$0x4] =	wrdreg $0xC0  }
0xad: {  	_ =	task [dreg:s9], $0x5FFFF  }
0xae: {  	[dreg:$0x1] =	wrdreg $0xFFFFFFFF  }
0xaf: {  	[dreg:$0x0] =	wrdreg $0x60  }
0xb0: {  	[dreg:$0x2] =	wrdreg s2  }
0xb1: {  	[dreg:$0x3] =	wrdreg s24  }
0xb2: {  	[dreg:$0x4] =	wrdreg s18  }
0xb3: {  	[dreg:$0x5] =	wrdreg s4  }
0xb4: {  	[dreg:$0x6] =	wrdreg $0x0  }
0xb5: {  	[dreg:$0x7] =	wrdreg $0x9  }
0xb6: {  	_ =	task.clear_ibuf [dreg:s9], $0x8FFFF;
	_ =	strace $0x90000046  }
0xb7: {  	s29 =	simm.s32 $0x9;
	_ =	strace $0x80000048  }
0xb8: {  	_ =	swait.ge [sflag:s29], $0x1  }
0xb9: {  	[sflag:s29] =	ssyncadd.s32 $0xFFFFFFFF  }
0xba: {  	_ =	strace $0x90000048  }
0xbb: {  	_ =	sfence  }
0xbc: {  	s30 =	sld [smem:$0x0];
	_ =	sdelay $0x2  }
0xbd: {  	s31 =	sshll.u32 s1, $0xD;
	s1 =	sshrl.u32 s1, $0x2  }
0xbe: {  	s3 =	sand.u32 $0x4000, s31;
	s1 =	sadd.s32 s1, s30  }
0xbf: {  	s0 =	sor.u32 s3, s0;
	s1 =	sshll.u32 s1, $0x11  }
0xc0: {  	s0 =	sor.u32 s1, s0  }
0xc1: {  	s0 =	sadd.s32 $0x8F2B, s0  }
0xc2: {  	[sflag:s0] =	ssyncadd.remote.s32 $0x1  }
0xc3: {  	_ =	sfence.sel $0xFFFF  }
0xc4: {  	[dreg:$0x0] =	wrdreg $0xFFFFFFFF;
	(pc) =	sbr.abs _section_cstart, $3  }
0xc5: {  	[dreg:$0x1] =	wrdreg $0xFFFFFFFF  }
0xc6: {  	_ =	task.clear_ibuf [dreg:s9], $0x2FFFF;
	_ =	strace $0x9FFFFFFF  }
0xc7: {  	(tm) =	ssettm $0x7FFFFFFF  }
tec
execute0_lowered:
.L_overlay_start_1:
0x0: {  	(tag) =	ssettag $0x1  }
0x1: {  	s1 =	rddreg [dreg:$0x0]  }
0x2: {  	s0 =	rddreg [dreg:$0x1]  }
0x3: {  	s2 =	srdreg.scid;
	s8 =	rddreg [dreg:$0x3]  }
0x4: {  	s13 =	stileid.u32;
	s4 =	rddreg [dreg:$0x4]  }
0x5: {  	s5 =	simm.s32 $0x0;
	s15 =	simm.s32 $0x13880;
	s17 =	simm.s32 $0x14880  }
0x6: {  	s19 =	simm.s32 $0x15880;
	s21 =	simm.s32 $0x16880;
	s22 =	simm.s32 $0x1  }
0x7: {  	s28 =	simm.s32 $0x2;
	s31 =	simm.s32 $0x18880;
	s16 =	simm.s32 $0x4  }
0x8: {  	s20 =	simm.s32 $0x8;
	s30 =	simm.s32 $0x9;
	s14 =	simm.s32 $0x6  }
0x9: {  	s18 =	simm.s32 $0xC;
	s29 =	simm.s32 $0x1BF60;
	s2 =	sand.u32 $0x1, s2  }
0xa: {  	s3 =	sshll.u32 s13, $0x1;
	[smem:$0x7FF] =	sst s5;
	s9 =	smul.u32 $0x13880, s13  }
0xb: {  	s11 =	sshll.u32 s13, $0x6;
	p0 =	sgt.u32 s13, $0x7;
	s13 =	simm.s32 $0x20  }
0xc: {  	s3 =	sor.u32 s2, s3;
	s23 =	ssub.s32 $0x2, s2;
	s2 =	smul.u32 $0x27100, s2  }
0xd: {  	_ =	strace $0x80000047;
	s6 =	smul.u32 $0x138, s3;
	s3 =	smin.u32 s3, $0x10  }
0xe: {  	s10 =	sshrl.u32 s23, $0x1;
	s12 =	sadd.s32 s9, s4;
	s24 =	sshrl.u32 s9, $0x3  }
0xf: {  	s10 =	ssub.s32 s23, s10;
	s2 =	sadd.s32 s8, s2;
	s9 =	sshrl.u32 s12, $0x3  }
0x10: {  	s23 =	simm.s32 $0xA;
	s3 =	sadd.s32 s3, s6;
	s6 =	sor.u32 $0x1C0D, s11  }
0x11: {  	s25 =	smax.u32 s10, $0x1;
	s10 =	simm.s32 $0xD;
	s26 =	sadd.s32 s24, s2  }
0x12: {  	s2 =	simm.s32 $0x7;
	s3 =	sshll.u32 s3, $0x2;
	[dreg:$0x6] =	wrdreg s25  }
0x13: {  	[dreg:$0x9] =	wrdreg s26;
	s7 =	sadd.s32 s3, s0;
	s0 =	sadd.s32 $0xA040, s0  }
0x14: {  	s26 =	simm.s32 $0x17880;
	s25 =	simm.s32 $0x5;
	s11 =	sadd.s32 @p0 s3, s0  }
0x15: {  	s7 =	sadd.s32 $0x400, s7;
	s0 =	sadd.s32 @!p0 s3, s0;
	[dreg:$0x7] =	wrdreg s11  }
0x16: {  	s3 =	simm.s32 $0x3;
	[dreg:$0x8] =	wrdreg s0;
	s0 =	simm.s32 $0xB  }
.LBB2_1:
0x17: {  	s8 =	rddreg [dreg:$0x2]  }
0x18: {  	[spmem:s9], [sflag:s6] =	dma.local [hbm:s8], $0x2710  }
0x19: {  	_ =	swait.ge [sflag:s10], $0x2710  }
0x1a: {  	[sflag:s10] =	ssyncset.done $0x0  }
0x1b: {  	s11 =	simm.s32 @p0 $0x19880;
	s8 =	simm.s32 @p0 $0x0;
	[sflag:s10] =	ssyncadd.s32 $0xFFFFD8F0  }
0x1c: {  	[tilespmem:s11], [sflag:$0xD] =	stream.linear.gather @p0 [hbm4b:s7+s8], $0x2700, $0x38;
	[tilespmem:$0x1E6C0] =	vst v63  }
0x1d: {  	s11 =	simm.s32 @p0 $0xD  }
0x1e: {  	_ =	swait.ge @p0 [sflag:s11], $0x2700  }
0x1f: {  	[sflag:s11] =	ssyncset.done @p0 $0x0  }
0x20: {  	s12 =	simm.s32 @p0 $0x1BFA0;
	s24 =	rddreg [dreg:$0x7];
	[sflag:s11] =	ssyncadd.s32 @p0 $0xFFFFD900  }
0x21: {  	[tilespmem:s12], [sflag:$0xD] =	stream.linear.gather @p0 [hbm4b:s24+s8], $0x2700, $0x38;
	[tilespmem:$0x1E6C0] =	vst v63  }
0x22: {  	_ =	swait.ge @p0 [sflag:s11], $0x2700  }
0x23: {  	[sflag:s11] =	ssyncset.done @p0 $0x0  }
0x24: {  	s8 =	simm.s32 @!p0 $0x0;
	[sflag:s11] =	ssyncadd.s32 @p0 $0xFFFFD900;
	s11 =	simm.s32 @!p0 $0x19880  }
0x25: {  	[tilespmem:s11], [sflag:$0xD] =	stream.linear.gather @!p0 [hbm4b:s7+s8], $0x2720, $0x38;
	[tilespmem:$0x1E6C0] =	vst v63  }
0x26: {  	s11 =	simm.s32 @!p0 $0xD  }
0x27: {  	_ =	swait.ge @!p0 [sflag:s11], $0x2720  }
0x28: {  	[sflag:s11] =	ssyncset.done @!p0 $0x0  }
0x29: {  	s12 =	simm.s32 @!p0 $0x1BFA0;
	s24 =	rddreg [dreg:$0x8];
	[sflag:s11] =	ssyncadd.s32 @!p0 $0xFFFFD8E0  }
0x2a: {  	[tilespmem:s12], [sflag:$0xD] =	stream.linear.gather @!p0 [hbm4b:s24+s8], $0x2720, $0x38;
	[tilespmem:$0x1E6C0] =	vst v63  }
0x2b: {  	_ =	swait.ge @!p0 [sflag:s11], $0x2720  }
0x2c: {  	[sflag:s11] =	ssyncset.done @!p0 $0x0  }
0x2d: {  	[sflag:s11] =	ssyncadd.s32 @!p0 $0xFFFFD8E0  }
0x2e: {  	s11 =	simm.s32 $0x19880;
	[bflag:$0x0] =	sbarrier.arrive $0xFFFF  }
0x2f: {  	[tilespmem:s15], [sflag:$0x1] =	stream.indirect.gather [hbm4b:s1+s13], $0x80, s11, s13, $0xb8;
	[tilespmem:$0x1E6C0] =	vst v63  }
0x30: {  	s12 =	simm.s32 $0x198A0  }
0x31: {  	[tilespmem:s17], [sflag:$0x2] =	stream.indirect.gather [hbm4b:s1+s13], $0x80, s12, s13, $0xb8;
	[tilespmem:$0x1E6C0] =	vst v63  }
0x32: {  	s24 =	simm.s32 $0x198C0  }
0x33: {  	[tilespmem:s19], [sflag:$0x3] =	stream.indirect.gather [hbm4b:s1+s13], $0x80, s24, s13, $0xb8;
	[tilespmem:$0x1E6C0] =	vst v63  }
0x34: {  	s11 =	simm.s32 $0x198E0  }
0x35: {  	[tilespmem:s21], [sflag:$0x4] =	stream.indirect.gather [hbm4b:s1+s13], $0x80, s11, s13, $0xb8;
	[tilespmem:$0x1E6C0] =	vst v63  }
0x36: {  	_ =	swait.ge [sflag:s22], $0x1000  }
0x37: {  	[sflag:s22] =	ssyncset.done $0x0  }
0x38: {  	s12 =	simm.s32 $0x1BFA0;
	[sflag:s22] =	ssyncadd.s32 $0xFFFFF000  }
0x39: {  	[spmem:s4] =	stream.indirect.scatter.add.f32 [tilespmem:s15], [sflag:$0x7], $0x80, s12, s13, $0xb8;
	[tilespmem:$0x1E6C0] =	vst v63  }
0x3a: {  	s24 =	simm.s32 $0x19900  }
0x3b: {  	[tilespmem:s26], [sflag:$0x5] =	stream.indirect.gather [hbm4b:s1+s13], $0x80, s24, s13, $0xb8;
	[tilespmem:$0x1E6C0] =	vst v63  }
0x3c: {  	_ =	swait.ge [sflag:s28], $0x1000  }
0x3d: {  	[sflag:s28] =	ssyncset.done $0x0  }
0x3e: {  	s11 =	simm.s32 $0x1BFC0;
	[sflag:s28] =	ssyncadd.s32 $0xFFFFF000  }
0x3f: {  	[spmem:s4] =	stream.indirect.scatter.add.f32 [tilespmem:s17], [sflag:$0x8], $0x80, s11, s13, $0xb8;
	[tilespmem:$0x1E6C0] =	vst v63  }
0x40: {  	s12 =	simm.s32 $0x19920  }
0x41: {  	[tilespmem:s31], [sflag:$0x6] =	stream.indirect.gather [hbm4b:s1+s13], $0x80, s12, s13, $0xb8;
	[tilespmem:$0x1E6C0] =	vst v63  }
0x42: {  	_ =	swait.ge [sflag:s3], $0x1000  }
0x43: {  	[sflag:s3] =	ssyncset.done $0x0  }
0x44: {  	s24 =	simm.s32 $0x1BFE0;
	[sflag:s3] =	ssyncadd.s32 $0xFFFFF000  }
0x45: {  	[spmem:s4] =	stream.indirect.scatter.add.f32 [tilespmem:s19], [sflag:$0x9], $0x80, s24, s13, $0xb8;
	[tilespmem:$0x1E6C0] =	vst v63  }
0x46: {  	_ =	swait.ge [sflag:s2], $0x1000  }
0x47: {  	[sflag:s2] =	ssyncset.done $0x0  }
0x48: {  	s11 =	simm.s32 $0x19940;
	[sflag:s2] =	ssyncadd.s32 $0xFFFFF000  }
0x49: {  	[tilespmem:s15], [sflag:$0x1] =	stream.indirect.gather [hbm4b:s1+s13], $0x80, s11, s13, $0xb8;
	[tilespmem:$0x1E6C0] =	vst v63  }
0x4a: {  	_ =	swait.ge [sflag:s16], $0x1000  }
0x4b: {  	[sflag:s16] =	ssyncset.done $0x0  }
0x4c: {  	s12 =	simm.s32 $0x1C000;
	[sflag:s16] =	ssyncadd.s32 $0xFFFFF000  }
0x4d: {  	[spmem:s4] =	stream.indirect.scatter.add.f32 [tilespmem:s21], [sflag:$0xA], $0x80, s12, s13, $0xb8;
	[tilespmem:$0x1E6C0] =	vst v63  }
0x4e: {  	_ =	swait.ge [sflag:s20], $0x1000  }
0x4f: {  	[sflag:s20] =	ssyncset.done $0x0  }
0x50: {  	s24 =	simm.s32 $0x19960;
	[sflag:s20] =	ssyncadd.s32 $0xFFFFF000  }
0x51: {  	[tilespmem:s17], [sflag:$0x2] =	stream.indirect.gather [hbm4b:s1+s13], $0x80, s24, s13, $0xb8;
	[tilespmem:$0x1E6C0] =	vst v63  }
0x52: {  	_ =	swait.ge [sflag:s25], $0x1000  }
0x53: {  	[sflag:s25] =	ssyncset.done $0x0  }
0x54: {  	s11 =	simm.s32 $0x1C020;
	[sflag:s25] =	ssyncadd.s32 $0xFFFFF000  }
0x55: {  	[spmem:s4] =	stream.indirect.scatter.add.f32 [tilespmem:s26], [sflag:$0xB], $0x80, s11, s13, $0xb8;
	[tilespmem:$0x1E6C0] =	vst v63  }
0x56: {  	_ =	swait.ge [sflag:s30], $0x1000  }
0x57: {  	[sflag:s30] =	ssyncset.done $0x0  }
0x58: {  	s12 =	simm.s32 $0x19980;
	[sflag:s30] =	ssyncadd.s32 $0xFFFFF000  }
0x59: {  	[tilespmem:s19], [sflag:$0x3] =	stream.indirect.gather [hbm4b:s1+s13], $0x80, s12, s13, $0xb8;
	[tilespmem:$0x1E6C0] =	vst v63  }
0x5a: {  	_ =	swait.ge [sflag:s14], $0x1000  }
0x5b: {  	[sflag:s14] =	ssyncset.done $0x0  }
0x5c: {  	s24 =	simm.s32 $0x1C040;
	[sflag:s14] =	ssyncadd.s32 $0xFFFFF000  }
0x5d: {  	[spmem:s4] =	stream.indirect.scatter.add.f32 [tilespmem:s31], [sflag:$0xC], $0x80, s24, s13, $0xb8;
	[tilespmem:$0x1E6C0] =	vst v63  }
0x5e: {  	_ =	swait.ge [sflag:s23], $0x1000  }
0x5f: {  	[sflag:s23] =	ssyncset.done $0x0  }
0x60: {  	s11 =	simm.s32 $0x199A0;
	[sflag:s23] =	ssyncadd.s32 $0xFFFFF000  }
0x61: {  	[tilespmem:s21], [sflag:$0x4] =	stream.indirect.gather [hbm4b:s1+s13], $0x80, s11, s13, $0xb8;
	[tilespmem:$0x1E6C0] =	vst v63  }
0x62: {  	_ =	swait.ge [sflag:s22], $0x1000  }
0x63: {  	[sflag:s22] =	ssyncset.done $0x0  }
0x64: {  	s12 =	simm.s32 $0x1C060;
	[sflag:s22] =	ssyncadd.s32 $0xFFFFF000  }
0x65: {  	[spmem:s4] =	stream.indirect.scatter.add.f32 [tilespmem:s15], [sflag:$0x7], $0x80, s12, s13, $0xb8;
	[tilespmem:$0x1E6C0] =	vst v63  }
0x66: {  	_ =	swait.ge [sflag:s0], $0x1000  }
0x67: {  	[sflag:s0] =	ssyncset.done $0x0  }
0x68: {  	s24 =	simm.s32 $0x199C0;
	[sflag:s0] =	ssyncadd.s32 $0xFFFFF000  }
0x69: {  	[tilespmem:s26], [sflag:$0x5] =	stream.indirect.gather [hbm4b:s1+s13], $0x80, s24, s13, $0xb8;
	[tilespmem:$0x1E6C0] =	vst v63  }
0x6a: {  	_ =	swait.ge [sflag:s28], $0x1000  }
0x6b: {  	[sflag:s28] =	ssyncset.done $0x0  }
0x6c: {  	s11 =	simm.s32 $0x1C080;
	[sflag:s28] =	ssyncadd.s32 $0xFFFFF000  }
0x6d: {  	[spmem:s4] =	stream.indirect.scatter.add.f32 [tilespmem:s17], [sflag:$0x8], $0x80, s11, s13, $0xb8;
	[tilespmem:$0x1E6C0] =	vst v63  }
0x6e: {  	_ =	swait.ge [sflag:s18], $0x1000  }
0x6f: {  	[sflag:s18] =	ssyncset.done $0x0  }
0x70: {  	s12 =	simm.s32 $0x199E0;
	[sflag:s18] =	ssyncadd.s32 $0xFFFFF000  }
0x71: {  	[tilespmem:s31], [sflag:$0x6] =	stream.indirect.gather [hbm4b:s1+s13], $0x80, s12, s13, $0xb8;
	[tilespmem:$0x1E6C0] =	vst v63  }
0x72: {  	_ =	swait.ge [sflag:s3], $0x1000  }
0x73: {  	[sflag:s3] =	ssyncset.done $0x0  }
0x74: {  	s24 =	simm.s32 $0x1C0A0;
	[sflag:s3] =	ssyncadd.s32 $0xFFFFF000  }
0x75: {  	[spmem:s4] =	stream.indirect.scatter.add.f32 [tilespmem:s19], [sflag:$0x9], $0x80, s24, s13, $0xb8;
	[tilespmem:$0x1E6C0] =	vst v63  }
0x76: {  	_ =	swait.ge [sflag:s2], $0x1000  }
0x77: {  	[sflag:s2] =	ssyncset.done $0x0  }
0x78: {  	s11 =	simm.s32 $0x19A00;
	[sflag:s2] =	ssyncadd.s32 $0xFFFFF000  }
0x79: {  	[tilespmem:s15], [sflag:$0x1] =	stream.indirect.gather [hbm4b:s1+s13], $0x80, s11, s13, $0xb8;
	[tilespmem:$0x1E6C0] =	vst v63  }
0x7a: {  	_ =	swait.ge [sflag:s16], $0x1000  }
0x7b: {  	[sflag:s16] =	ssyncset.done $0x0  }
0x7c: {  	s12 =	simm.s32 $0x1C0C0;
	[sflag:s16] =	ssyncadd.s32 $0xFFFFF000  }
0x7d: {  	[spmem:s4] =	stream.indirect.scatter.add.f32 [tilespmem:s21], [sflag:$0xA], $0x80, s12, s13, $0xb8;
	[tilespmem:$0x1E6C0] =	vst v63  }
0x7e: {  	_ =	swait.ge [sflag:s20], $0x1000  }
0x7f: {  	[sflag:s20] =	ssyncset.done $0x0  }
0x80: {  	s24 =	simm.s32 $0x19A20;
	[sflag:s20] =	ssyncadd.s32 $0xFFFFF000  }
0x81: {  	[tilespmem:s17], [sflag:$0x2] =	stream.indirect.gather [hbm4b:s1+s13], $0x80, s24, s13, $0xb8;
	[tilespmem:$0x1E6C0] =	vst v63  }
0x82: {  	_ =	swait.ge [sflag:s25], $0x1000  }
0x83: {  	[sflag:s25] =	ssyncset.done $0x0  }
0x84: {  	s11 =	simm.s32 $0x1C0E0;
	[sflag:s25] =	ssyncadd.s32 $0xFFFFF000  }
0x85: {  	[spmem:s4] =	stream.indirect.scatter.add.f32 [tilespmem:s26], [sflag:$0xB], $0x80, s11, s13, $0xb8;
	[tilespmem:$0x1E6C0] =	vst v63  }
0x86: {  	_ =	swait.ge [sflag:s30], $0x1000  }
0x87: {  	[sflag:s30] =	ssyncset.done $0x0  }
0x88: {  	s12 =	simm.s32 $0x19A40;
	[sflag:s30] =	ssyncadd.s32 $0xFFFFF000  }
0x89: {  	[tilespmem:s19], [sflag:$0x3] =	stream.indirect.gather [hbm4b:s1+s13], $0x80, s12, s13, $0xb8;
	[tilespmem:$0x1E6C0] =	vst v63  }
0x8a: {  	_ =	swait.ge [sflag:s14], $0x1000  }
0x8b: {  	[sflag:s14] =	ssyncset.done $0x0  }
0x8c: {  	s24 =	simm.s32 $0x1C100;
	[sflag:s14] =	ssyncadd.s32 $0xFFFFF000  }
0x8d: {  	[spmem:s4] =	stream.indirect.scatter.add.f32 [tilespmem:s31], [sflag:$0xC], $0x80, s24, s13, $0xb8;
	[tilespmem:$0x1E6C0] =	vst v63  }
0x8e: {  	_ =	swait.ge [sflag:s23], $0x1000  }
0x8f: {  	[sflag:s23] =	ssyncset.done $0x0  }
0x90: {  	s8 =	simm.s32 $0x300;
	s11 =	simm.s32 $0x19A60;
	[sflag:s23] =	ssyncadd.s32 $0xFFFFF000  }
.LBB2_2:
0x91: {  	[tilespmem:s21], [sflag:$0x4] =	stream.indirect.gather [hbm4b:s1+s13], $0x80, s11, s13, $0xb8;
	[tilespmem:$0x1E6C0] =	vst v63  }
0x92: {  	s11 =	smov.u32 s8  }
0x93: {  	p1 =	sne.s32 s8, $0x9300;
	s8 =	sadd.s32 $0x300, s8;
	_ =	swait.ge [sflag:s22], $0x1000  }
0x94: {  	s11 =	sshra.s32 s11, $0x2;
	[sflag:s22] =	ssyncset.done $0x0  }
0x95: {  	s12 =	sadd.s32 $0x1C060, s11;
	[sflag:s22] =	ssyncadd.s32 $0xFFFFF000  }
0x96: {  	[spmem:s4] =	stream.indirect.scatter.add.f32 [tilespmem:s15], [sflag:$0x7], $0x80, s12, s13, $0xb8;
	[tilespmem:$0x1E6C0] =	vst v63  }
0x97: {  	_ =	swait.ge [sflag:s0], $0x1000  }
0x98: {  	[sflag:s0] =	ssyncset.done $0x0  }
0x99: {  	s12 =	sadd.s32 $0x199C0, s11;
	[sflag:s0] =	ssyncadd.s32 $0xFFFFF000  }
0x9a: {  	[tilespmem:s26], [sflag:$0x5] =	stream.indirect.gather [hbm4b:s1+s13], $0x80, s12, s13, $0xb8;
	[tilespmem:$0x1E6C0] =	vst v63  }
0x9b: {  	_ =	swait.ge [sflag:s28], $0x1000  }
0x9c: {  	[sflag:s28] =	ssyncset.done $0x0  }
0x9d: {  	s12 =	sadd.s32 $0x1C080, s11;
	[sflag:s28] =	ssyncadd.s32 $0xFFFFF000  }
0x9e: {  	[spmem:s4] =	stream.indirect.scatter.add.f32 [tilespmem:s17], [sflag:$0x8], $0x80, s12, s13, $0xb8;
	[tilespmem:$0x1E6C0] =	vst v63  }
0x9f: {  	_ =	swait.ge [sflag:s18], $0x1000  }
0xa0: {  	[sflag:s18] =	ssyncset.done $0x0  }
0xa1: {  	s12 =	sadd.s32 $0x199E0, s11;
	[sflag:s18] =	ssyncadd.s32 $0xFFFFF000  }
0xa2: {  	[tilespmem:s31], [sflag:$0x6] =	stream.indirect.gather [hbm4b:s1+s13], $0x80, s12, s13, $0xb8;
	[tilespmem:$0x1E6C0] =	vst v63  }
0xa3: {  	_ =	swait.ge [sflag:s3], $0x1000  }
0xa4: {  	[sflag:s3] =	ssyncset.done $0x0  }
0xa5: {  	s12 =	sadd.s32 $0x1C0A0, s11;
	[sflag:s3] =	ssyncadd.s32 $0xFFFFF000  }
0xa6: {  	[spmem:s4] =	stream.indirect.scatter.add.f32 [tilespmem:s19], [sflag:$0x9], $0x80, s12, s13, $0xb8;
	[tilespmem:$0x1E6C0] =	vst v63  }
0xa7: {  	_ =	swait.ge [sflag:s2], $0x1000  }
0xa8: {  	[sflag:s2] =	ssyncset.done $0x0  }
0xa9: {  	s12 =	sadd.s32 $0x19A00, s11;
	[sflag:s2] =	ssyncadd.s32 $0xFFFFF000  }
0xaa: {  	[tilespmem:s15], [sflag:$0x1] =	stream.indirect.gather [hbm4b:s1+s13], $0x80, s12, s13, $0xb8;
	[tilespmem:$0x1E6C0] =	vst v63  }
0xab: {  	_ =	swait.ge [sflag:s16], $0x1000  }
0xac: {  	[sflag:s16] =	ssyncset.done $0x0  }
0xad: {  	s12 =	sadd.s32 $0x1C0C0, s11;
	[sflag:s16] =	ssyncadd.s32 $0xFFFFF000  }
0xae: {  	[spmem:s4] =	stream.indirect.scatter.add.f32 [tilespmem:s21], [sflag:$0xA], $0x80, s12, s13, $0xb8;
	[tilespmem:$0x1E6C0] =	vst v63  }
0xaf: {  	_ =	swait.ge [sflag:s20], $0x1000  }
0xb0: {  	[sflag:s20] =	ssyncset.done $0x0  }
0xb1: {  	s12 =	sadd.s32 $0x19A20, s11;
	[sflag:s20] =	ssyncadd.s32 $0xFFFFF000  }
0xb2: {  	[tilespmem:s17], [sflag:$0x2] =	stream.indirect.gather [hbm4b:s1+s13], $0x80, s12, s13, $0xb8;
	[tilespmem:$0x1E6C0] =	vst v63  }
0xb3: {  	_ =	swait.ge [sflag:s25], $0x1000  }
0xb4: {  	[sflag:s25] =	ssyncset.done $0x0  }
0xb5: {  	s12 =	sadd.s32 $0x1C0E0, s11;
	[sflag:s25] =	ssyncadd.s32 $0xFFFFF000  }
0xb6: {  	[spmem:s4] =	stream.indirect.scatter.add.f32 [tilespmem:s26], [sflag:$0xB], $0x80, s12, s13, $0xb8;
	[tilespmem:$0x1E6C0] =	vst v63  }
0xb7: {  	_ =	swait.ge [sflag:s30], $0x1000  }
0xb8: {  	[sflag:s30] =	ssyncset.done $0x0  }
0xb9: {  	s12 =	sadd.s32 $0x19A40, s11;
	[sflag:s30] =	ssyncadd.s32 $0xFFFFF000  }
0xba: {  	[tilespmem:s19], [sflag:$0x3] =	stream.indirect.gather [hbm4b:s1+s13], $0x80, s12, s13, $0xb8;
	[tilespmem:$0x1E6C0] =	vst v63  }
0xbb: {  	_ =	swait.ge [sflag:s14], $0x1000  }
0xbc: {  	[sflag:s14] =	ssyncset.done $0x0  }
.Ltmp0:
0xbd: {  	s12 =	sadd.s32 $0x1C100, s11;
	[sflag:s14] =	ssyncadd.s32 $0xFFFFF000;
	(pc) =	sbr.rel @p1 .LBB2_2-.Ltmp0, $4  }
0xbe: {  	[spmem:s4] =	stream.indirect.scatter.add.f32 [tilespmem:s31], [sflag:$0xC], $0x80, s12, s13, $0xb8;
	[tilespmem:$0x1E6C0] =	vst v63  }
0xbf: {  	_ =	swait.ge [sflag:s23], $0x1000  }
0xc0: {  	[sflag:s23] =	ssyncset.done $0x0  }
0xc1: {  	s11 =	sadd.s32 $0x19A60, s11;
	[sflag:s23] =	ssyncadd.s32 $0xFFFFF000  }
0xc2: {  	[tilespmem:s21], [sflag:$0x4] =	stream.indirect.gather [hbm4b:s1+s13], $0x80, s11, s13, $0xb8;
	[tilespmem:$0x1E6C0] =	vst v63  }
0xc3: {  	_ =	swait.ge [sflag:s22], $0x1000  }
0xc4: {  	[sflag:s22] =	ssyncset.done $0x0  }
0xc5: {  	s8 =	simm.s32 $0x1E5E0;
	[sflag:s22] =	ssyncadd.s32 $0xFFFFF000  }
0xc6: {  	[spmem:s4] =	stream.indirect.scatter.add.f32 [tilespmem:s15], [sflag:$0x7], $0x80, s8, s13, $0xb8;
	[tilespmem:$0x1E6C0] =	vst v63  }
0xc7: {  	_ =	swait.ge [sflag:s0], $0x1000  }
0xc8: {  	[sflag:s0] =	ssyncset.done $0x0  }
0xc9: {  	s12 =	simm.s32 $0x1BF40;
	[sflag:s0] =	ssyncadd.s32 $0xFFFFF000  }
0xca: {  	[tilespmem:s26], [sflag:$0x5] =	stream.indirect.gather [hbm4b:s1+s13], $0x80, s12, s13, $0xb8;
	[tilespmem:$0x1E6C0] =	vst v63  }
0xcb: {  	_ =	swait.ge [sflag:s28], $0x1000  }
0xcc: {  	[sflag:s28] =	ssyncset.done $0x0  }
0xcd: {  	s24 =	simm.s32 $0x1E600;
	[sflag:s28] =	ssyncadd.s32 $0xFFFFF000  }
0xce: {  	[spmem:s4] =	stream.indirect.scatter.add.f32 [tilespmem:s17], [sflag:$0x8], $0x80, s24, s13, $0xb8;
	[tilespmem:$0x1E6C0] =	vst v63  }
0xcf: {  	_ =	swait.ge [sflag:s18], $0x1000  }
0xd0: {  	[sflag:s18] =	ssyncset.done $0x0  }
0xd1: {  	[sflag:s18] =	ssyncadd.s32 $0xFFFFF000  }
0xd2: {  	[tilespmem:s31], [sflag:$0x6] =	stream.indirect.gather [hbm4b:s1+s13], $0x80, s29, s13, $0xb8;
	[tilespmem:$0x1E6C0] =	vst v63  }
0xd3: {  	_ =	swait.ge [sflag:s3], $0x1000  }
0xd4: {  	[sflag:s3] =	ssyncset.done $0x0  }
0xd5: {  	s11 =	simm.s32 $0x1E620;
	[sflag:s3] =	ssyncadd.s32 $0xFFFFF000  }
0xd6: {  	[spmem:s4] =	stream.indirect.scatter.add.f32 [tilespmem:s19], [sflag:$0x9], $0x80, s11, s13, $0xb8;
	[tilespmem:$0x1E6C0] =	vst v63  }
0xd7: {  	_ =	swait.ge [sflag:s2], $0x1000  }
0xd8: {  	[sflag:s2] =	ssyncset.done $0x0  }
0xd9: {  	[sflag:s2] =	ssyncadd.s32 $0xFFFFF000  }
0xda: {  	[tilespmem:s15], [sflag:$0x1] =	stream.indirect.gather [hbm4b:s1+s13], $0x80, s29, s13, $0xb8;
	[tilespmem:$0x1E6C0] =	vst v63  }
0xdb: {  	_ =	swait.ge [sflag:s16], $0x1000  }
0xdc: {  	[sflag:s16] =	ssyncset.done $0x0  }
0xdd: {  	s12 =	simm.s32 $0x1E640;
	[sflag:s16] =	ssyncadd.s32 $0xFFFFF000  }
0xde: {  	[spmem:s4] =	stream.indirect.scatter.add.f32 [tilespmem:s21], [sflag:$0xA], $0x80, s12, s13, $0xb8;
	[tilespmem:$0x1E6C0] =	vst v63  }
0xdf: {  	_ =	swait.ge [sflag:s20], $0x1000  }
0xe0: {  	[sflag:s20] =	ssyncset.done $0x0  }
0xe1: {  	[sflag:s20] =	ssyncadd.s32 $0xFFFFF000  }
0xe2: {  	[tilespmem:s17], [sflag:$0x2] =	stream.indirect.gather [hbm4b:s1+s13], $0x80, s29, s13, $0xb8;
	[tilespmem:$0x1E6C0] =	vst v63  }
0xe3: {  	_ =	swait.ge [sflag:s25], $0x1000  }
0xe4: {  	[sflag:s25] =	ssyncset.done $0x0  }
0xe5: {  	s24 =	simm.s32 $0x1E660;
	[sflag:s25] =	ssyncadd.s32 $0xFFFFF000  }
0xe6: {  	[spmem:s4] =	stream.indirect.scatter.add.f32 [tilespmem:s26], [sflag:$0xB], $0x80, s24, s13, $0xb8;
	[tilespmem:$0x1E6C0] =	vst v63  }
0xe7: {  	_ =	swait.ge [sflag:s30], $0x1000  }
0xe8: {  	[sflag:s30] =	ssyncset.done $0x0  }
0xe9: {  	[sflag:s30] =	ssyncadd.s32 $0xFFFFF000  }
0xea: {  	[tilespmem:s19], [sflag:$0x3] =	stream.indirect.gather [hbm4b:s1+s13], $0x80, s29, s13, $0xb8;
	[tilespmem:$0x1E6C0] =	vst v63  }
0xeb: {  	_ =	swait.ge [sflag:s14], $0x1000  }
0xec: {  	[sflag:s14] =	ssyncset.done $0x0  }
0xed: {  	s11 =	simm.s32 $0x1E680;
	[sflag:s14] =	ssyncadd.s32 $0xFFFFF000  }
0xee: {  	[spmem:s4] =	stream.indirect.scatter.add.f32 [tilespmem:s31], [sflag:$0xC], $0x80, s11, s13, $0xb8;
	[tilespmem:$0x1E6C0] =	vst v63  }
0xef: {  	_ =	swait.ge [sflag:s23], $0x1000  }
0xf0: {  	[sflag:s23] =	ssyncset.done $0x0  }
0xf1: {  	[sflag:s23] =	ssyncadd.s32 $0xFFFFF000  }
0xf2: {  	[tilespmem:s21], [sflag:$0x4] =	stream.indirect.gather [hbm4b:s1+s13], $0x80, s29, s13, $0xb8;
	[tilespmem:$0x1E6C0] =	vst v63  }
0xf3: {  	_ =	swait.ge [sflag:s22], $0x1000  }
0xf4: {  	[sflag:s22] =	ssyncset.done $0x0  }
0xf5: {  	[sflag:s22] =	ssyncadd.s32 $0xFFFFF000  }
0xf6: {  	_ =	swait.ge [sflag:s28], $0x1000  }
0xf7: {  	[sflag:s28] =	ssyncset.done $0x0  }
0xf8: {  	[sflag:s28] =	ssyncadd.s32 $0xFFFFF000  }
0xf9: {  	_ =	swait.ge [sflag:s3], $0x1000  }
0xfa: {  	[sflag:s3] =	ssyncset.done $0x0  }
0xfb: {  	[sflag:s3] =	ssyncadd.s32 $0xFFFFF000  }
0xfc: {  	_ =	swait.ge [sflag:s16], $0x1000  }
0xfd: {  	[sflag:s16] =	ssyncset.done $0x0  }
0xfe: {  	[sflag:s16] =	ssyncadd.s32 $0xFFFFF000  }
0xff: {  	_ =	swait.ge [sflag:s0], $0x1000  }
0x100: {  	[sflag:s0] =	ssyncset.done $0x0  }
0x101: {  	[sflag:s0] =	ssyncadd.s32 $0xFFFFF000  }
0x102: {  	_ =	swait.ge [sflag:s18], $0x1000  }
0x103: {  	s8 =	simm.s32 @!p0 $0x20;
	[sflag:s18] =	ssyncset.done $0x0  }
0x104: {  	s12 =	simm.s32 @!p0 $0x13880;
	s11 =	simm.s32 @!p0 $0x1BF80;
	[sflag:s18] =	ssyncadd.s32 $0xFFFFF000  }
0x105: {  	[tilespmem:s12], [sflag:$0x1] =	stream.indirect.gather @!p0 [hbm4b:s1+s8], $0x80, s11, s8, $0xb8;
	[tilespmem:$0x1E6C0] =	vst v63  }
0x106: {  	s11 =	simm.s32 @!p0 $0x1  }
0x107: {  	_ =	swait.ge @!p0 [sflag:s11], $0x1000  }
0x108: {  	[sflag:s11] =	ssyncset.done @!p0 $0x0  }
0x109: {  	[sflag:s11] =	ssyncadd.s32 @!p0 $0xFFFFF000;
	s11 =	simm.s32 @!p0 $0x1E6A0  }
0x10a: {  	[spmem:s4] =	stream.indirect.scatter.add.f32 @!p0 [tilespmem:s12], [sflag:$0xD], $0x80, s11, s8, $0xb8;
	[tilespmem:$0x1E6C0] =	vst v63  }
0x10b: {  	s8 =	simm.s32 @!p0 $0xD  }
0x10c: {  	_ =	swait.ge @!p0 [sflag:s8], $0x1000  }
0x10d: {  	[sflag:s8] =	ssyncset.done @!p0 $0x0  }
0x10e: {  	[sflag:s8] =	ssyncadd.s32 @!p0 $0xFFFFF000  }
0x10f: {  	[bflag:$0x0] =	sbarrier.arrive $0xFFFF  }
0x110: {  	s12 =	rddreg [dreg:$0x9]  }
0x111: {  	[hbm:s12], [sflag:s6] =	dma.local [spmem:s9], $0x2710  }
0x112: {  	_ =	swait.ge [sflag:s10], $0x2710  }
0x113: {  	s5 =	sadd.s32 $0x1, s5;
	s24 =	rddreg [dreg:$0x6]  }
0x114: {  	p1 =	sne.s32 s5, s24  }
.Ltmp1:
0x115: {  	_ = 	snop;
	(pc) =	sbr.rel @p1 .LBB2_1-.Ltmp1, $3  }
0x116: {  	_ =	sdelay $0x1  }
0x117: {  	[sflag:s10] =	ssyncset.done $0x0  }
0x118: {  	[sflag:s10] =	ssyncadd.s32 $0xFFFFD8F0  }
0x119: {  	_ =	sfence.sel $0x180000  }
0x11a: {  	[bflag:$0x0] =	sbarrier.arrive $0xFFFF  }
0x11b: {  	_ =	strace $0x90000047  }
0x11c: {  	s0 =	stileid.u32;
	[bflag:$0x2] =	sbarrier.arrive $0xFFFF  }
0x11d: {  	p0 =	sne.s32 s0, $0x0;
	s0 =	rddreg [dreg:$0x5]  }
0x11e: {  	s0 =	sadd.s32 @!p0 $0x100000, s0  }
0x11f: {  	[sflag:s0] =	ssyncadd.tile.s32 @!p0 $0x1;
	_ =	shalt  }
.Lfunc_end2:
_tile_overlayer_lowered:
.L_overlay_start_2:
0x120: {  	(tag) =	ssettag $0x2  }
0x121: {  	s0 =	rddreg [dreg:$0x0];
	s2 =	stileid.u32  }
0x122: {  	s1 =	rddreg [dreg:$0x1];
	p0 =	sne.s32 s2, $0x0  }
0x123: {  	s3 =	rddreg [dreg:$0x2];
	[bflag:$0x3] =	sbarrier.arrive $0xFFFF;
	s2 =	simm.s32 @!p0 $0x1C0D  }
0x124: {  	[timem:s3], [sflag:s2] =	dma.local @!p0 [hbm:s0], s1  }
0x125: {  	s0 =	simm.s32 @!p0 $0xD  }
0x126: {  	_ =	swait.ge @!p0 [sflag:s0], s1  }
0x127: {  	s1 =	ssub.s32 @!p0 $0x0, s1;
	[sflag:s0] =	ssyncset.done @!p0 $0x0  }
0x128: {  	[sflag:s0] =	ssyncadd.s32 @!p0 s1  }
0x129: {  	[bflag:$0x3] =	sbarrier.arrive $0xFFFF  }
0x12a: {  	_ =	shalt  }

</sc_bundles>
